<compile_context>
chip_gen: v7x
topology: tpu7x:2x2x1
jax: 0.10.2.dev20260603
libtpu: 0.0.44.dev20260713+nightly
codegen_flags: <defaults>
</compile_context>

<pallas_src>
import functools

import jax
import jax.numpy as jnp
from jax import lax
from jax.experimental import pallas as pl
from jax.experimental.pallas import tpu as pltpu
from jax.experimental.pallas import tpu_sc as plsc

_NB = 512
_DG = 256
_TILE_N = 2048
_TILE_R = 512
_PADC = 128


_NPAD = 50176
_NW = 32
_EPW = 25000
_ECH = 5000
_CW = 8
_RPS = _NPAD // 16


def _edge_scatter_body(p16_hbm, src_hbm, dst_hbm, zeros_hbm, out_hbm,
                       sidx_v, rows_v, didx_v, acc):
    cid = lax.axis_index("c")
    sid = lax.axis_index("s")
    zbase = sid * _RPS
    pltpu.sync_copy(zeros_hbm.at[pl.ds(zbase, _RPS)],
                    acc.at[pl.ds(zbase, _RPS)])
    plsc.subcore_barrier()
    ebase = (sid * 2 + cid) * _EPW
    for c in range(_EPW // _ECH):
        b = ebase + c * _ECH
        pltpu.sync_copy(src_hbm.at[pl.ds(b, _ECH)], sidx_v)
        pltpu.sync_copy(p16_hbm.at[sidx_v], rows_v)
        pltpu.sync_copy(dst_hbm.at[pl.ds(b, _ECH)], didx_v)
        pltpu.sync_copy(rows_v, acc.at[didx_v], add=True)
    plsc.subcore_barrier()
    pltpu.sync_copy(acc.at[pl.ds(zbase, _RPS)],
                    out_hbm.at[cid, pl.ds(zbase, _RPS)])


def _edge_scatter(p16, src, dst, zeros):
    mesh = plsc.VectorSubcoreMesh(core_axis_name="c", subcore_axis_name="s")
    k = functools.partial(
        pl.kernel, mesh=mesh,
        compiler_params=pltpu.CompilerParams(use_tc_tiling_on_sc=False),
        out_type=jax.ShapeDtypeStruct((2, _NPAD, _CW), jnp.float32),
        scratch_types=[
            pltpu.VMEM((_ECH,), jnp.int32),
            pltpu.VMEM((_ECH, _CW), jnp.float32),
            pltpu.VMEM((_ECH,), jnp.int32),
            pltpu.VMEM_SHARED((_NPAD, _CW), jnp.float32),
        ],
    )(_edge_scatter_body)
    return k(p16, src, dst, zeros)


def _pool_body(z_ref, brow_ref, out_ref):
    i = pl.program_id(0)

    @pl.when(i == 0)
    def _():
        out_ref[...] = jnp.zeros_like(out_ref)

    brow = brow_ref[0]
    gid = lax.broadcasted_iota(jnp.int32, (_NB, _TILE_N), 0).astype(jnp.float32)
    ohT = (gid == brow).astype(jnp.float32)
    out_ref[...] += jax.lax.dot_general(
        ohT, z_ref[...], (((1,), (0,)), ((), ())),
        preferred_element_type=jnp.float32)


def _mlp_body(zr_ref, zl_ref, grow_ref, w1_ref, b1_ref, w2_ref, b2_ref,
              w3_ref, b3_ref, delta_ref):
    i = pl.program_id(0)

    @pl.when(i == 0)
    def _():
        delta_ref[...] = jnp.zeros_like(delta_ref)

    w1a = w1_ref[0:_DG, :]
    w1b = w1_ref[_DG:, :]
    h1 = jax.lax.dot_general(zr_ref[...], w1a, (((1,), (0,)), ((), ())),
                             preferred_element_type=jnp.float32)
    h1 += jax.lax.dot_general(zl_ref[...], w1b, (((1,), (0,)), ((), ())),
                              preferred_element_type=jnp.float32)
    h1 = jnp.maximum(h1 + b1_ref[...], 0.0)
    h2 = jax.lax.dot_general(h1, w2_ref[...], (((1,), (0,)), ((), ())),
                             preferred_element_type=jnp.float32)
    h2 = jnp.maximum(h2 + b2_ref[...], 0.0)
    lg = jax.lax.dot_general(h2, w3_ref[...], (((1,), (0,)), ((), ())),
                             preferred_element_type=jnp.float32)
    lg = lg + b3_ref[...]
    col = lax.broadcasted_iota(jnp.int32, (_TILE_R, _PADC), 1)
    lg = jnp.where(col < 2, lg, -1e30)
    rw = jax.nn.softmax(lg, axis=-1)
    grow = grow_ref[0]
    gid = lax.broadcasted_iota(jnp.int32, (_NB, _TILE_R), 0).astype(jnp.float32)
    ohT = (gid == grow).astype(jnp.float32)
    delta_ref[...] += jax.lax.dot_general(
        ohT, rw, (((1,), (0,)), ((), ())),
        preferred_element_type=jnp.float32)


def _cls_body(esum_ref, dpad_ref, cf_ref,
              wg1_ref, bg1_ref, wg2_ref, bg2_ref,
              wq1_ref, bq1_ref, wq2_ref, bq2_ref,
              lg_ref, lr_ref):
    cf = cf_ref[...]
    emb_g = esum_ref[...] / cf
    hg = jax.lax.dot_general(emb_g, wg1_ref[...], (((1,), (0,)), ((), ())),
                             preferred_element_type=jnp.float32)
    hg = jnp.maximum(hg + bg1_ref[...], 0.0)
    lg_ref[...] = jax.lax.dot_general(hg, wg2_ref[...],
                                      (((1,), (0,)), ((), ())),
                                      preferred_element_type=jnp.float32) + bg2_ref[...]
    emb_r = (esum_ref[...] + dpad_ref[...]) / cf
    hq = jax.lax.dot_general(emb_r, wq1_ref[...], (((1,), (0,)), ((), ())),
                             preferred_element_type=jnp.float32)
    hq = jnp.maximum(hq + bq1_ref[...], 0.0)
    lr_ref[...] = jax.lax.dot_general(hq, wq2_ref[...],
                                      (((1,), (0,)), ((), ())),
                                      preferred_element_type=jnp.float32) + bq2_ref[...]


def kernel(z_G, x, proba, uncertainty, degree, edge_index, batch, z_L,
           k_budget, Wr, br, W1, b1, W2, b2, W3, b3, Wg1, bg1, Wg2, bg2,
           Wq1, bq1, Wq2, bq2):
    n = z_G.shape[0]
    proba_n = proba / jnp.maximum(proba.sum(-1, keepdims=True), 1e-12)
    src, dst = edge_index[0], edge_index[1]
    p16 = jnp.zeros((_NPAD, _CW), jnp.float32)
    p16 = p16.at[:n, 0:2].set(proba_n).at[:n, 2].set(1.0)
    parts = _edge_scatter(p16, src, dst, jnp.zeros((_NPAD, _CW), jnp.float32))
    nb = parts[0] + parts[1]
    nb_sum = nb[:n, 0:2]
    nb_cnt = jnp.maximum(nb[:n, 2], 1.0)[:, None]
    homophily = (proba_n * (nb_sum / nb_cnt)).sum(-1)
    feats = jnp.concatenate([z_G, uncertainty, homophily[:, None],
                             degree[:, None], x], axis=-1)
    scores = jax.nn.sigmoid(feats @ Wr + br)[:, 0]
    sort_key = batch.astype(jnp.float32) * 10.0 + (1.0 - scores)
    order = jnp.argsort(sort_key)
    counts = jnp.bincount(batch, length=_NB)
    starts = jnp.concatenate([jnp.zeros((1,), counts.dtype),
                              jnp.cumsum(counts)[:-1]])
    k_static = z_L.shape[0] // _NB
    offsets = jnp.arange(k_static) + (k_budget - k_static)
    pick = (starts[:, None] + offsets[None, :]).reshape(-1)
    routed_idx = jnp.sort(order[pick])
    routed_mask = jnp.zeros((n,), bool).at[routed_idx].set(True)

    n_pad = ((n + _TILE_N - 1) // _TILE_N) * _TILE_N
    nt = n_pad // _TILE_N
    z_pad = jnp.pad(z_G, ((0, n_pad - n), (0, 0)))
    b_row = jnp.pad(batch.astype(jnp.float32), (0, n_pad - n),
                    constant_values=float(_NB)).reshape(nt, 1, _TILE_N)
    emb_sum = pl.pallas_call(
        _pool_body,
        grid=(nt,),
        in_specs=[pl.BlockSpec((_TILE_N, _DG), lambda i: (i, 0)),
                  pl.BlockSpec((1, 1, _TILE_N), lambda i: (i, 0, 0))],
        out_specs=pl.BlockSpec((_NB, _DG), lambda i: (0, 0)),
        out_shape=jax.ShapeDtypeStruct((_NB, _DG), jnp.float32),
    )(z_pad, b_row)

    r = z_L.shape[0]
    rt = r // _TILE_R
    z_routed = z_G[routed_idx]
    g_row = batch[routed_idx].astype(jnp.float32).reshape(rt, 1, _TILE_R)
    w3p = jnp.pad(W3, ((0, 0), (0, _PADC - W3.shape[1])))
    b3p = jnp.pad(b3, (0, _PADC - b3.shape[0])).reshape(1, _PADC)
    delta = pl.pallas_call(
        _mlp_body,
        grid=(rt,),
        in_specs=[pl.BlockSpec((_TILE_R, _DG), lambda i: (i, 0)),
                  pl.BlockSpec((_TILE_R, z_L.shape[1]), lambda i: (i, 0)),
                  pl.BlockSpec((1, 1, _TILE_R), lambda i: (i, 0, 0)),
                  pl.BlockSpec(W1.shape, lambda i: (0, 0)),
                  pl.BlockSpec((1, b1.shape[0]), lambda i: (0, 0)),
                  pl.BlockSpec(W2.shape, lambda i: (0, 0)),
                  pl.BlockSpec((1, b2.shape[0]), lambda i: (0, 0)),
                  pl.BlockSpec(w3p.shape, lambda i: (0, 0)),
                  pl.BlockSpec((1, _PADC), lambda i: (0, 0))],
        out_specs=pl.BlockSpec((_NB, _PADC), lambda i: (0, 0)),
        out_shape=jax.ShapeDtypeStruct((_NB, _PADC), jnp.float32),
    )(z_routed, z_L, g_row, W1, b1.reshape(1, -1), W2, b2.reshape(1, -1),
      w3p, b3p)

    cf = jnp.maximum(counts.astype(jnp.float32), 1.0)[:, None]
    dpad = jnp.pad(delta, ((0, 0), (0, _DG - _PADC)))
    wg2p = jnp.pad(Wg2, ((0, 0), (0, _PADC - Wg2.shape[1])))
    bg2p = jnp.pad(bg2, (0, _PADC - bg2.shape[0])).reshape(1, _PADC)
    wq2p = jnp.pad(Wq2, ((0, 0), (0, _PADC - Wq2.shape[1])))
    bq2p = jnp.pad(bq2, (0, _PADC - bq2.shape[0])).reshape(1, _PADC)
    full = lambda s: pl.BlockSpec(s, lambda: (0,) * len(s))
    lg, lr = pl.pallas_call(
        _cls_body,
        in_specs=[full((_NB, _DG)), full((_NB, _DG)), full((_NB, 1)),
                  full(Wg1.shape), full((1, bg1.shape[0])),
                  full(wg2p.shape), full((1, _PADC)),
                  full(Wq1.shape), full((1, bq1.shape[0])),
                  full(wq2p.shape), full((1, _PADC))],
        out_specs=[full((_NB, _PADC)), full((_NB, _PADC))],
        out_shape=[jax.ShapeDtypeStruct((_NB, _PADC), jnp.float32),
                   jax.ShapeDtypeStruct((_NB, _PADC), jnp.float32)],
    )(emb_sum, dpad, cf, Wg1, bg1.reshape(1, -1), wg2p, bg2p,
      Wq1, bq1.reshape(1, -1), wq2p, bq2p)

    return lg[:, :2], lr[:, :2], scores, routed_mask

# --- scband reference (transcript-rebuilt; emitter-appended) ---
"""Pipeline reference for scband-glance-85031762526457 (READ-ONLY COPY).

The authoritative reference and input builder live on the scoring server;
editing this copy changes nothing except your own understanding.
"""

import jax, jax.numpy as jnp
import numpy as np

N = 50000
E = 800000
B = 512
K = 8
D_G = 256
D_X = 256
D_L = 768
H = 512
HB = 256
C = 2
RIN = D_G + 3 + D_X

def _init(key, shape, scale=0.02):
    return jax.random.normal(key, shape, jnp.float32) * scale

def setup_inputs(seed: int = 0):
    key = jax.random.key(seed)
    ks = jax.random.split(key, 30)
    inp = {}
    inp["z_G"] = jax.random.normal(ks[0], (N, D_G), jnp.float32)
    inp["x"] = jax.random.normal(ks[1], (N, D_X), jnp.float32)
    inp["proba"] = jax.random.uniform(ks[2], (N, C), jnp.float32)
    inp["uncertainty"] = jax.random.uniform(ks[3], (N, 1), jnp.float32)
    inp["degree"] = jax.random.uniform(ks[4], (N,), jnp.float32) * 64.0
    inp["edge_index"] = jax.random.randint(ks[5], (2, E), 0, N, dtype=jnp.int32)
    inp["batch"] = jnp.sort(jax.random.randint(ks[6], (N,), 0, B, dtype=jnp.int32))
    inp["z_L"] = jax.random.normal(ks[7], (B * K, D_L), jnp.float32)
    inp["k_budget"] = K
    inp["Wr"] = _init(ks[8], (RIN, 1)); inp["br"] = jnp.zeros((1,), jnp.float32)
    inp["W1"] = _init(ks[9], (D_G + D_L, H)); inp["b1"] = jnp.zeros((H,), jnp.float32)
    inp["W2"] = _init(ks[10], (H, H // 2)); inp["b2"] = jnp.zeros((H // 2,), jnp.float32)
    inp["W3"] = _init(ks[11], (H // 2, 2)); inp["b3"] = jnp.zeros((2,), jnp.float32)
    inp["Wg1"] = _init(ks[12], (D_G, HB)); inp["bg1"] = jnp.zeros((HB,), jnp.float32)
    inp["Wg2"] = _init(ks[13], (HB, 2)); inp["bg2"] = jnp.zeros((2,), jnp.float32)
    inp["Wq1"] = _init(ks[14], (D_G, HB)); inp["bq1"] = jnp.zeros((HB,), jnp.float32)
    inp["Wq2"] = _init(ks[15], (HB, 2)); inp["bq2"] = jnp.zeros((2,), jnp.float32)
    return inp

def reference(z_G, x, proba, uncertainty, degree, edge_index, batch, z_L, k_budget, Wr, br, W1, b1, W2, b2, W3, b3, Wg1, bg1, Wg2, bg2, Wq1, bq1, Wq2, bq2):
    n = z_G.shape[0]
    # homophily estimator proba -> normalized distributions (predict_proba)
    proba_n = proba / jnp.maximum(proba.sum(-1, keepdims=True), 1e-12)
    # compute_soft_homophily (GLANCE Eq. 1): scatter-add over edges
    src, dst = edge_index[0], edge_index[1]
    nb_sum = jnp.zeros((n, proba_n.shape[1]), jnp.float32).at[dst].add(proba_n[src])
    nb_cnt = jnp.zeros((n,), jnp.float32).at[dst].add(1.0)
    nb_cnt = jnp.maximum(nb_cnt, 1.0)[:, None]
    homophily = (proba_n * (nb_sum / nb_cnt)).sum(-1)
    # routing features f_v = [z_G, uncertainty, homophily, degree, x]
    feats = jnp.concatenate([z_G, uncertainty, homophily[:, None], degree[:, None], x], axis=-1)
    # NodeRouter: sigmoid(linear)
    scores = jax.nn.sigmoid(feats @ Wr + br)[:, 0]
    # per-graph top-k routing: sort by (graph id, -score)
    sort_key = batch.astype(jnp.float32) * 10.0 + (1.0 - scores)
    order = jnp.argsort(sort_key)
    counts = jnp.bincount(batch, length=B)
    starts = jnp.concatenate([jnp.zeros((1,), counts.dtype), jnp.cumsum(counts)[:-1]])
    k_static = z_L.shape[0] // B
    offsets = jnp.arange(k_static) + (k_budget - k_static)
    pick = (starts[:, None] + offsets[None, :]).reshape(-1)
    routed_idx = jnp.sort(order[pick])
    routed_mask = jnp.zeros((n,), bool).at[routed_idx].set(True)
    # RefinerMLP on routed nodes (eval mode: dropout = identity)
    z_G_routed = z_G[routed_idx]
    comb = jnp.concatenate([z_G_routed, z_L], axis=-1)
    h = jax.nn.relu(comb @ W1 + b1)
    h = jax.nn.relu(h @ W2 + b2)
    node_logits = h @ W3 + b3
    rw = jax.nn.softmax(node_logits, axis=-1)
    pad = jnp.zeros((rw.shape[0], z_G.shape[1] - rw.shape[1]), jnp.float32)
    refined_signal = jnp.zeros_like(z_G).at[routed_idx].set(jnp.concatenate([rw, pad], axis=-1))
    z_G_refined = z_G + refined_signal
    # global_mean_pool + graph classifiers
    cf = jnp.maximum(counts.astype(jnp.float32), 1.0)[:, None]
    emb_g = jax.ops.segment_sum(z_G, batch, num_segments=B) / cf
    logits_gnn = jax.nn.relu(emb_g @ Wg1 + bg1) @ Wg2 + bg2
    emb_r = jax.ops.segment_sum(z_G_refined, batch, num_segments=B) / cf
    logits_refined = jax.nn.relu(emb_r @ Wq1 + bq1) @ Wq2 + bq2
    return logits_gnn, logits_refined, scores, routed_mask

if __name__ == "__main__":
    import jax
    _d = setup_inputs()
    print(jax.jit(kernel)(*tuple(_d.values())))

</pallas_src>

<mosaic_0001>
#map = affine_map<(d0, d1) -> (0, 0)>
#map1 = affine_map<(d0, d1) -> (0)>
#map2 = affine_map<(d0, d1) -> (0, 0, 0)>
module attributes {stable_mosaic.version = 14 : i64} {
  func.func @_edge_scatter_body(%arg0: i32, %arg1: i32, %arg2: memref<50176x8xf32, #tpu.memory_space<hbm>>, %arg3: memref<800000xi32, #tpu.memory_space<hbm>>, %arg4: memref<800000xi32, #tpu.memory_space<hbm>>, %arg5: memref<50176x8xf32, #tpu.memory_space<hbm>>, %arg6: memref<2x50176x8xf32, #tpu.memory_space<hbm>>, %arg7: memref<5000xi32, #tpu.memory_space<vmem>>, %arg8: memref<5000x8xf32, #tpu.memory_space<vmem>>, %arg9: memref<5000xi32, #tpu.memory_space<vmem>>, %arg10: memref<50176x8xf32, #tpu.memory_space<vmem_shared>>) attributes {dimension_semantics = [#tpu.dimension_semantics<core_parallel>, #tpu.dimension_semantics<subcore_parallel>], iteration_bounds = array<i64: 2, 16>, scalar_prefetch = 0 : i64, scratch_operands = 4 : i64, tpu.core_type = #tpu.core_type<sc_vector_subcore>, window_params = [{transform_indices = #map}, {transform_indices = #map1}, {transform_indices = #map1}, {transform_indices = #map}, {transform_indices = #map2}]} {
    %mul3A = arith.constant 3136 : i32
    %mul3A_0 = arith.muli %arg1, %mul3A : i32
    "tpu.region"() ({
      %run_scoped3A = tpu.sem_alloc : memref<!tpu.dma_semaphore, #tpu.memory_space<semaphore_mem>>
      %dma_start3A = arith.constant 0 : i32
      %dma_start3A_16 = tpu.memref_slice %arg10[%mul3A_0, %dma_start3A] : memref<50176x8xf32, #tpu.memory_space<vmem_shared>> -> memref<3136x8xf32, #tpu.memory_space<vmem_shared>>
      %dma_start3A_17 = arith.constant 0 : i32
      %dma_start3A_18 = tpu.memref_slice %arg5[%mul3A_0, %dma_start3A_17] : memref<50176x8xf32, #tpu.memory_space<hbm>> -> memref<3136x8xf32, #tpu.memory_space<hbm>>
      tpu.enqueue_dma source(%dma_start3A_18 : memref<3136x8xf32, #tpu.memory_space<hbm>>) target(%dma_start3A_16 : memref<3136x8xf32, #tpu.memory_space<vmem_shared>>) target_semaphore(%run_scoped3A : memref<!tpu.dma_semaphore, #tpu.memory_space<semaphore_mem>>)
      %dma_wait3A = arith.constant 0 : i32
      %dma_wait3A_19 = tpu.memref_slice %arg10[%mul3A_0, %dma_wait3A] : memref<50176x8xf32, #tpu.memory_space<vmem_shared>> -> memref<3136x8xf32, #tpu.memory_space<vmem_shared>>
      %dma_wait3A_20 = arith.constant 0 : i32
      %dma_wait3A_21 = tpu.memref_slice %arg5[%mul3A_0, %dma_wait3A_20] : memref<50176x8xf32, #tpu.memory_space<hbm>> -> memref<3136x8xf32, #tpu.memory_space<hbm>>
      tpu.wait_dma2 semaphore(%run_scoped3A : memref<!tpu.dma_semaphore, #tpu.memory_space<semaphore_mem>>) src(%dma_wait3A_21 : memref<3136x8xf32, #tpu.memory_space<hbm>>) dst(%dma_wait3A_19 : memref<3136x8xf32, #tpu.memory_space<vmem_shared>>)
      tpu.yield
    }) : () -> ()
    %barrier3A = arith.constant 0 : index
    tpu.barrier barrier_id(%barrier3A)
    %mul3A_1 = arith.constant 2 : i32
    %mul3A_2 = arith.muli %arg1, %mul3A_1 : i32
    %add3A = arith.addi %mul3A_2, %arg0 : i32
    %mul3A_3 = arith.constant 25000 : i32
    %mul3A_4 = arith.muli %add3A, %mul3A_3 : i32
    %add3A_5 = arith.constant 0 : i32
    %add3A_6 = arith.addi %mul3A_4, %add3A_5 : i32
    "tpu.region"() ({
      %run_scoped3A = tpu.sem_alloc : memref<!tpu.dma_semaphore, #tpu.memory_space<semaphore_mem>>
      %dma_start3A = tpu.memref_slice %arg3[%add3A_6] : memref<800000xi32, #tpu.memory_space<hbm>> -> memref<5000xi32, #tpu.memory_space<hbm>>
      %dma_start3A_16 = tpu.memref_slice %arg3[%add3A_6] : memref<800000xi32, #tpu.memory_space<hbm>> -> memref<5000xi32, #tpu.memory_space<hbm>>
      tpu.enqueue_dma source(%dma_start3A_16 : memref<5000xi32, #tpu.memory_space<hbm>>) target(%arg7 : memref<5000xi32, #tpu.memory_space<vmem>>) target_semaphore(%run_scoped3A : memref<!tpu.dma_semaphore, #tpu.memory_space<semaphore_mem>>)
      %dma_wait3A = tpu.memref_slice %arg3[%add3A_6] : memref<800000xi32, #tpu.memory_space<hbm>> -> memref<5000xi32, #tpu.memory_space<hbm>>
      %dma_wait3A_17 = tpu.memref_slice %arg3[%add3A_6] : memref<800000xi32, #tpu.memory_space<hbm>> -> memref<5000xi32, #tpu.memory_space<hbm>>
      tpu.wait_dma2 semaphore(%run_scoped3A : memref<!tpu.dma_semaphore, #tpu.memory_space<semaphore_mem>>) src(%dma_wait3A_17 : memref<5000xi32, #tpu.memory_space<hbm>>) dst(%arg7 : memref<5000xi32, #tpu.memory_space<vmem>>)
      tpu.yield
    }) : () -> ()
    "tpu.region"() ({
      %run_scoped3A = tpu.sem_alloc : memref<!tpu.dma_semaphore, #tpu.memory_space<semaphore_mem>>
      %dma_start3A = arith.constant 0 : i32
      %dma_start3A_16 = arith.constant 0 : i32
      %dma_start3A_17 = tpu.memref_slice %arg2[%dma_start3A, %dma_start3A_16] : memref<50176x8xf32, #tpu.memory_space<hbm>> -> memref<50176x8xf32, #tpu.memory_space<hbm>>
      tpu.enqueue_indirect_dma source(%dma_start3A_17 : memref<50176x8xf32, #tpu.memory_space<hbm>>) target(%arg8 : memref<5000x8xf32, #tpu.memory_space<vmem>>) offsets(%arg7 : memref<5000xi32, #tpu.memory_space<vmem>>) semaphore(%run_scoped3A : memref<!tpu.dma_semaphore, #tpu.memory_space<semaphore_mem>>)
      %dma_wait3A = arith.constant 0 : i32
      %dma_wait3A_18 = arith.constant 0 : i32
      %dma_wait3A_19 = tpu.memref_slice %arg2[%dma_wait3A, %dma_wait3A_18] : memref<50176x8xf32, #tpu.memory_space<hbm>> -> memref<50176x8xf32, #tpu.memory_space<hbm>>
      tpu.wait_indirect_dma semaphore(%run_scoped3A : memref<!tpu.dma_semaphore, #tpu.memory_space<semaphore_mem>>) src(%dma_wait3A_19 : memref<50176x8xf32, #tpu.memory_space<hbm>>) dst(%arg8 : memref<5000x8xf32, #tpu.memory_space<vmem>>)
      tpu.yield
    }) : () -> ()
    "tpu.region"() ({
      %run_scoped3A = tpu.sem_alloc : memref<!tpu.dma_semaphore, #tpu.memory_space<semaphore_mem>>
      %dma_start3A = tpu.memref_slice %arg4[%add3A_6] : memref<800000xi32, #tpu.memory_space<hbm>> -> memref<5000xi32, #tpu.memory_space<hbm>>
      %dma_start3A_16 = tpu.memref_slice %arg4[%add3A_6] : memref<800000xi32, #tpu.memory_space<hbm>> -> memref<5000xi32, #tpu.memory_space<hbm>>
      tpu.enqueue_dma source(%dma_start3A_16 : memref<5000xi32, #tpu.memory_space<hbm>>) target(%arg9 : memref<5000xi32, #tpu.memory_space<vmem>>) target_semaphore(%run_scoped3A : memref<!tpu.dma_semaphore, #tpu.memory_space<semaphore_mem>>)
      %dma_wait3A = tpu.memref_slice %arg4[%add3A_6] : memref<800000xi32, #tpu.memory_space<hbm>> -> memref<5000xi32, #tpu.memory_space<hbm>>
      %dma_wait3A_17 = tpu.memref_slice %arg4[%add3A_6] : memref<800000xi32, #tpu.memory_space<hbm>> -> memref<5000xi32, #tpu.memory_space<hbm>>
      tpu.wait_dma2 semaphore(%run_scoped3A : memref<!tpu.dma_semaphore, #tpu.memory_space<semaphore_mem>>) src(%dma_wait3A_17 : memref<5000xi32, #tpu.memory_space<hbm>>) dst(%arg9 : memref<5000xi32, #tpu.memory_space<vmem>>)
      tpu.yield
    }) : () -> ()
    "tpu.region"() ({
      %run_scoped3A = tpu.sem_alloc : memref<!tpu.dma_semaphore, #tpu.memory_space<semaphore_mem>>
      %dma_start3A = arith.constant 0 : i32
      %dma_start3A_16 = arith.constant 0 : i32
      %dma_start3A_17 = tpu.memref_slice %arg10[%dma_start3A, %dma_start3A_16] : memref<50176x8xf32, #tpu.memory_space<vmem_shared>> -> memref<50176x8xf32, #tpu.memory_space<vmem_shared>>
      tpu.enqueue_indirect_dma source(%arg8 : memref<5000x8xf32, #tpu.memory_space<vmem>>) target(%dma_start3A_17 : memref<50176x8xf32, #tpu.memory_space<vmem_shared>>) offsets(%arg9 : memref<5000xi32, #tpu.memory_space<vmem>>) semaphore(%run_scoped3A : memref<!tpu.dma_semaphore, #tpu.memory_space<semaphore_mem>>) {add = true}
      %dma_wait3A = arith.constant 0 : i32
      %dma_wait3A_18 = arith.constant 0 : i32
      %dma_wait3A_19 = tpu.memref_slice %arg10[%dma_wait3A, %dma_wait3A_18] : memref<50176x8xf32, #tpu.memory_space<vmem_shared>> -> memref<50176x8xf32, #tpu.memory_space<vmem_shared>>
      tpu.wait_indirect_dma semaphore(%run_scoped3A : memref<!tpu.dma_semaphore, #tpu.memory_space<semaphore_mem>>) src(%arg8 : memref<5000x8xf32, #tpu.memory_space<vmem>>) dst(%dma_wait3A_19 : memref<50176x8xf32, #tpu.memory_space<vmem_shared>>)
      tpu.yield
    }) : () -> ()
    %add3A_7 = arith.constant 5000 : i32
    %add3A_8 = arith.addi %mul3A_4, %add3A_7 : i32
    "tpu.region"() ({
      %run_scoped3A = tpu.sem_alloc : memref<!tpu.dma_semaphore, #tpu.memory_space<semaphore_mem>>
      %dma_start3A = tpu.memref_slice %arg3[%add3A_8] : memref<800000xi32, #tpu.memory_space<hbm>> -> memref<5000xi32, #tpu.memory_space<hbm>>
      %dma_start3A_16 = tpu.memref_slice %arg3[%add3A_8] : memref<800000xi32, #tpu.memory_space<hbm>> -> memref<5000xi32, #tpu.memory_space<hbm>>
      tpu.enqueue_dma source(%dma_start3A_16 : memref<5000xi32, #tpu.memory_space<hbm>>) target(%arg7 : memref<5000xi32, #tpu.memory_space<vmem>>) target_semaphore(%run_scoped3A : memref<!tpu.dma_semaphore, #tpu.memory_space<semaphore_mem>>)
      %dma_wait3A = tpu.memref_slice %arg3[%add3A_8] : memref<800000xi32, #tpu.memory_space<hbm>> -> memref<5000xi32, #tpu.memory_space<hbm>>
      %dma_wait3A_17 = tpu.memref_slice %arg3[%add3A_8] : memref<800000xi32, #tpu.memory_space<hbm>> -> memref<5000xi32, #tpu.memory_space<hbm>>
      tpu.wait_dma2 semaphore(%run_scoped3A : memref<!tpu.dma_semaphore, #tpu.memory_space<semaphore_mem>>) src(%dma_wait3A_17 : memref<5000xi32, #tpu.memory_space<hbm>>) dst(%arg7 : memref<5000xi32, #tpu.memory_space<vmem>>)
      tpu.yield
    }) : () -> ()
    "tpu.region"() ({
      %run_scoped3A = tpu.sem_alloc : memref<!tpu.dma_semaphore, #tpu.memory_space<semaphore_mem>>
      %dma_start3A = arith.constant 0 : i32
      %dma_start3A_16 = arith.constant 0 : i32
      %dma_start3A_17 = tpu.memref_slice %arg2[%dma_start3A, %dma_start3A_16] : memref<50176x8xf32, #tpu.memory_space<hbm>> -> memref<50176x8xf32, #tpu.memory_space<hbm>>
      tpu.enqueue_indirect_dma source(%dma_start3A_17 : memref<50176x8xf32, #tpu.memory_space<hbm>>) target(%arg8 : memref<5000x8xf32, #tpu.memory_space<vmem>>) offsets(%arg7 : memref<5000xi32, #tpu.memory_space<vmem>>) semaphore(%run_scoped3A : memref<!tpu.dma_semaphore, #tpu.memory_space<semaphore_mem>>)
      %dma_wait3A = arith.constant 0 : i32
      %dma_wait3A_18 = arith.constant 0 : i32
      %dma_wait3A_19 = tpu.memref_slice %arg2[%dma_wait3A, %dma_wait3A_18] : memref<50176x8xf32, #tpu.memory_space<hbm>> -> memref<50176x8xf32, #tpu.memory_space<hbm>>
      tpu.wait_indirect_dma semaphore(%run_scoped3A : memref<!tpu.dma_semaphore, #tpu.memory_space<semaphore_mem>>) src(%dma_wait3A_19 : memref<50176x8xf32, #tpu.memory_space<hbm>>) dst(%arg8 : memref<5000x8xf32, #tpu.memory_space<vmem>>)
      tpu.yield
    }) : () -> ()
    "tpu.region"() ({
      %run_scoped3A = tpu.sem_alloc : memref<!tpu.dma_semaphore, #tpu.memory_space<semaphore_mem>>
      %dma_start3A = tpu.memref_slice %arg4[%add3A_8] : memref<800000xi32, #tpu.memory_space<hbm>> -> memref<5000xi32, #tpu.memory_space<hbm>>
      %dma_start3A_16 = tpu.memref_slice %arg4[%add3A_8] : memref<800000xi32, #tpu.memory_space<hbm>> -> memref<5000xi32, #tpu.memory_space<hbm>>
      tpu.enqueue_dma source(%dma_start3A_16 : memref<5000xi32, #tpu.memory_space<hbm>>) target(%arg9 : memref<5000xi32, #tpu.memory_space<vmem>>) target_semaphore(%run_scoped3A : memref<!tpu.dma_semaphore, #tpu.memory_space<semaphore_mem>>)
      %dma_wait3A = tpu.memref_slice %arg4[%add3A_8] : memref<800000xi32, #tpu.memory_space<hbm>> -> memref<5000xi32, #tpu.memory_space<hbm>>
      %dma_wait3A_17 = tpu.memref_slice %arg4[%add3A_8] : memref<800000xi32, #tpu.memory_space<hbm>> -> memref<5000xi32, #tpu.memory_space<hbm>>
      tpu.wait_dma2 semaphore(%run_scoped3A : memref<!tpu.dma_semaphore, #tpu.memory_space<semaphore_mem>>) src(%dma_wait3A_17 : memref<5000xi32, #tpu.memory_space<hbm>>) dst(%arg9 : memref<5000xi32, #tpu.memory_space<vmem>>)
      tpu.yield
    }) : () -> ()
    "tpu.region"() ({
      %run_scoped3A = tpu.sem_alloc : memref<!tpu.dma_semaphore, #tpu.memory_space<semaphore_mem>>
      %dma_start3A = arith.constant 0 : i32
      %dma_start3A_16 = arith.constant 0 : i32
      %dma_start3A_17 = tpu.memref_slice %arg10[%dma_start3A, %dma_start3A_16] : memref<50176x8xf32, #tpu.memory_space<vmem_shared>> -> memref<50176x8xf32, #tpu.memory_space<vmem_shared>>
      tpu.enqueue_indirect_dma source(%arg8 : memref<5000x8xf32, #tpu.memory_space<vmem>>) target(%dma_start3A_17 : memref<50176x8xf32, #tpu.memory_space<vmem_shared>>) offsets(%arg9 : memref<5000xi32, #tpu.memory_space<vmem>>) semaphore(%run_scoped3A : memref<!tpu.dma_semaphore, #tpu.memory_space<semaphore_mem>>) {add = true}
      %dma_wait3A = arith.constant 0 : i32
      %dma_wait3A_18 = arith.constant 0 : i32
      %dma_wait3A_19 = tpu.memref_slice %arg10[%dma_wait3A, %dma_wait3A_18] : memref<50176x8xf32, #tpu.memory_space<vmem_shared>> -> memref<50176x8xf32, #tpu.memory_space<vmem_shared>>
      tpu.wait_indirect_dma semaphore(%run_scoped3A : memref<!tpu.dma_semaphore, #tpu.memory_space<semaphore_mem>>) src(%arg8 : memref<5000x8xf32, #tpu.memory_space<vmem>>) dst(%dma_wait3A_19 : memref<50176x8xf32, #tpu.memory_space<vmem_shared>>)
      tpu.yield
    }) : () -> ()
    %add3A_9 = arith.constant 10000 : i32
    %add3A_10 = arith.addi %mul3A_4, %add3A_9 : i32
    "tpu.region"() ({
      %run_scoped3A = tpu.sem_alloc : memref<!tpu.dma_semaphore, #tpu.memory_space<semaphore_mem>>
      %dma_start3A = tpu.memref_slice %arg3[%add3A_10] : memref<800000xi32, #tpu.memory_space<hbm>> -> memref<5000xi32, #tpu.memory_space<hbm>>
      %dma_start3A_16 = tpu.memref_slice %arg3[%add3A_10] : memref<800000xi32, #tpu.memory_space<hbm>> -> memref<5000xi32, #tpu.memory_space<hbm>>
      tpu.enqueue_dma source(%dma_start3A_16 : memref<5000xi32, #tpu.memory_space<hbm>>) target(%arg7 : memref<5000xi32, #tpu.memory_space<vmem>>) target_semaphore(%run_scoped3A : memref<!tpu.dma_semaphore, #tpu.memory_space<semaphore_mem>>)
      %dma_wait3A = tpu.memref_slice %arg3[%add3A_10] : memref<800000xi32, #tpu.memory_space<hbm>> -> memref<5000xi32, #tpu.memory_space<hbm>>
      %dma_wait3A_17 = tpu.memref_slice %arg3[%add3A_10] : memref<800000xi32, #tpu.memory_space<hbm>> -> memref<5000xi32, #tpu.memory_space<hbm>>
      tpu.wait_dma2 semaphore(%run_scoped3A : memref<!tpu.dma_semaphore, #tpu.memory_space<semaphore_mem>>) src(%dma_wait3A_17 : memref<5000xi32, #tpu.memory_space<hbm>>) dst(%arg7 : memref<5000xi32, #tpu.memory_space<vmem>>)
      tpu.yield
    }) : () -> ()
    "tpu.region"() ({
      %run_scoped3A = tpu.sem_alloc : memref<!tpu.dma_semaphore, #tpu.memory_space<semaphore_mem>>
      %dma_start3A = arith.constant 0 : i32
      %dma_start3A_16 = arith.constant 0 : i32
      %dma_start3A_17 = tpu.memref_slice %arg2[%dma_start3A, %dma_start3A_16] : memref<50176x8xf32, #tpu.memory_space<hbm>> -> memref<50176x8xf32, #tpu.memory_space<hbm>>
      tpu.enqueue_indirect_dma source(%dma_start3A_17 : memref<50176x8xf32, #tpu.memory_space<hbm>>) target(%arg8 : memref<5000x8xf32, #tpu.memory_space<vmem>>) offsets(%arg7 : memref<5000xi32, #tpu.memory_space<vmem>>) semaphore(%run_scoped3A : memref<!tpu.dma_semaphore, #tpu.memory_space<semaphore_mem>>)
      %dma_wait3A = arith.constant 0 : i32
      %dma_wait3A_18 = arith.constant 0 : i32
      %dma_wait3A_19 = tpu.memref_slice %arg2[%dma_wait3A, %dma_wait3A_18] : memref<50176x8xf32, #tpu.memory_space<hbm>> -> memref<50176x8xf32, #tpu.memory_space<hbm>>
      tpu.wait_indirect_dma semaphore(%run_scoped3A : memref<!tpu.dma_semaphore, #tpu.memory_space<semaphore_mem>>) src(%dma_wait3A_19 : memref<50176x8xf32, #tpu.memory_space<hbm>>) dst(%arg8 : memref<5000x8xf32, #tpu.memory_space<vmem>>)
      tpu.yield
    }) : () -> ()
    "tpu.region"() ({
      %run_scoped3A = tpu.sem_alloc : memref<!tpu.dma_semaphore, #tpu.memory_space<semaphore_mem>>
      %dma_start3A = tpu.memref_slice %arg4[%add3A_10] : memref<800000xi32, #tpu.memory_space<hbm>> -> memref<5000xi32, #tpu.memory_space<hbm>>
      %dma_start3A_16 = tpu.memref_slice %arg4[%add3A_10] : memref<800000xi32, #tpu.memory_space<hbm>> -> memref<5000xi32, #tpu.memory_space<hbm>>
      tpu.enqueue_dma source(%dma_start3A_16 : memref<5000xi32, #tpu.memory_space<hbm>>) target(%arg9 : memref<5000xi32, #tpu.memory_space<vmem>>) target_semaphore(%run_scoped3A : memref<!tpu.dma_semaphore, #tpu.memory_space<semaphore_mem>>)
      %dma_wait3A = tpu.memref_slice %arg4[%add3A_10] : memref<800000xi32, #tpu.memory_space<hbm>> -> memref<5000xi32, #tpu.memory_space<hbm>>
      %dma_wait3A_17 = tpu.memref_slice %arg4[%add3A_10] : memref<800000xi32, #tpu.memory_space<hbm>> -> memref<5000xi32, #tpu.memory_space<hbm>>
      tpu.wait_dma2 semaphore(%run_scoped3A : memref<!tpu.dma_semaphore, #tpu.memory_space<semaphore_mem>>) src(%dma_wait3A_17 : memref<5000xi32, #tpu.memory_space<hbm>>) dst(%arg9 : memref<5000xi32, #tpu.memory_space<vmem>>)
      tpu.yield
    }) : () -> ()
    "tpu.region"() ({
      %run_scoped3A = tpu.sem_alloc : memref<!tpu.dma_semaphore, #tpu.memory_space<semaphore_mem>>
      %dma_start3A = arith.constant 0 : i32
      %dma_start3A_16 = arith.constant 0 : i32
      %dma_start3A_17 = tpu.memref_slice %arg10[%dma_start3A, %dma_start3A_16] : memref<50176x8xf32, #tpu.memory_space<vmem_shared>> -> memref<50176x8xf32, #tpu.memory_space<vmem_shared>>
      tpu.enqueue_indirect_dma source(%arg8 : memref<5000x8xf32, #tpu.memory_space<vmem>>) target(%dma_start3A_17 : memref<50176x8xf32, #tpu.memory_space<vmem_shared>>) offsets(%arg9 : memref<5000xi32, #tpu.memory_space<vmem>>) semaphore(%run_scoped3A : memref<!tpu.dma_semaphore, #tpu.memory_space<semaphore_mem>>) {add = true}
      %dma_wait3A = arith.constant 0 : i32
      %dma_wait3A_18 = arith.constant 0 : i32
      %dma_wait3A_19 = tpu.memref_slice %arg10[%dma_wait3A, %dma_wait3A_18] : memref<50176x8xf32, #tpu.memory_space<vmem_shared>> -> memref<50176x8xf32, #tpu.memory_space<vmem_shared>>
      tpu.wait_indirect_dma semaphore(%run_scoped3A : memref<!tpu.dma_semaphore, #tpu.memory_space<semaphore_mem>>) src(%arg8 : memref<5000x8xf32, #tpu.memory_space<vmem>>) dst(%dma_wait3A_19 : memref<50176x8xf32, #tpu.memory_space<vmem_shared>>)
      tpu.yield
    }) : () -> ()
    %add3A_11 = arith.constant 15000 : i32
    %add3A_12 = arith.addi %mul3A_4, %add3A_11 : i32
    "tpu.region"() ({
      %run_scoped3A = tpu.sem_alloc : memref<!tpu.dma_semaphore, #tpu.memory_space<semaphore_mem>>
      %dma_start3A = tpu.memref_slice %arg3[%add3A_12] : memref<800000xi32, #tpu.memory_space<hbm>> -> memref<5000xi32, #tpu.memory_space<hbm>>
      %dma_start3A_16 = tpu.memref_slice %arg3[%add3A_12] : memref<800000xi32, #tpu.memory_space<hbm>> -> memref<5000xi32, #tpu.memory_space<hbm>>
      tpu.enqueue_dma source(%dma_start3A_16 : memref<5000xi32, #tpu.memory_space<hbm>>) target(%arg7 : memref<5000xi32, #tpu.memory_space<vmem>>) target_semaphore(%run_scoped3A : memref<!tpu.dma_semaphore, #tpu.memory_space<semaphore_mem>>)
      %dma_wait3A = tpu.memref_slice %arg3[%add3A_12] : memref<800000xi32, #tpu.memory_space<hbm>> -> memref<5000xi32, #tpu.memory_space<hbm>>
      %dma_wait3A_17 = tpu.memref_slice %arg3[%add3A_12] : memref<800000xi32, #tpu.memory_space<hbm>> -> memref<5000xi32, #tpu.memory_space<hbm>>
      tpu.wait_dma2 semaphore(%run_scoped3A : memref<!tpu.dma_semaphore, #tpu.memory_space<semaphore_mem>>) src(%dma_wait3A_17 : memref<5000xi32, #tpu.memory_space<hbm>>) dst(%arg7 : memref<5000xi32, #tpu.memory_space<vmem>>)
      tpu.yield
    }) : () -> ()
    "tpu.region"() ({
      %run_scoped3A = tpu.sem_alloc : memref<!tpu.dma_semaphore, #tpu.memory_space<semaphore_mem>>
      %dma_start3A = arith.constant 0 : i32
      %dma_start3A_16 = arith.constant 0 : i32
      %dma_start3A_17 = tpu.memref_slice %arg2[%dma_start3A, %dma_start3A_16] : memref<50176x8xf32, #tpu.memory_space<hbm>> -> memref<50176x8xf32, #tpu.memory_space<hbm>>
      tpu.enqueue_indirect_dma source(%dma_start3A_17 : memref<50176x8xf32, #tpu.memory_space<hbm>>) target(%arg8 : memref<5000x8xf32, #tpu.memory_space<vmem>>) offsets(%arg7 : memref<5000xi32, #tpu.memory_space<vmem>>) semaphore(%run_scoped3A : memref<!tpu.dma_semaphore, #tpu.memory_space<semaphore_mem>>)
      %dma_wait3A = arith.constant 0 : i32
      %dma_wait3A_18 = arith.constant 0 : i32
      %dma_wait3A_19 = tpu.memref_slice %arg2[%dma_wait3A, %dma_wait3A_18] : memref<50176x8xf32, #tpu.memory_space<hbm>> -> memref<50176x8xf32, #tpu.memory_space<hbm>>
      tpu.wait_indirect_dma semaphore(%run_scoped3A : memref<!tpu.dma_semaphore, #tpu.memory_space<semaphore_mem>>) src(%dma_wait3A_19 : memref<50176x8xf32, #tpu.memory_space<hbm>>) dst(%arg8 : memref<5000x8xf32, #tpu.memory_space<vmem>>)
      tpu.yield
    }) : () -> ()
    "tpu.region"() ({
      %run_scoped3A = tpu.sem_alloc : memref<!tpu.dma_semaphore, #tpu.memory_space<semaphore_mem>>
      %dma_start3A = tpu.memref_slice %arg4[%add3A_12] : memref<800000xi32, #tpu.memory_space<hbm>> -> memref<5000xi32, #tpu.memory_space<hbm>>
      %dma_start3A_16 = tpu.memref_slice %arg4[%add3A_12] : memref<800000xi32, #tpu.memory_space<hbm>> -> memref<5000xi32, #tpu.memory_space<hbm>>
      tpu.enqueue_dma source(%dma_start3A_16 : memref<5000xi32, #tpu.memory_space<hbm>>) target(%arg9 : memref<5000xi32, #tpu.memory_space<vmem>>) target_semaphore(%run_scoped3A : memref<!tpu.dma_semaphore, #tpu.memory_space<semaphore_mem>>)
      %dma_wait3A = tpu.memref_slice %arg4[%add3A_12] : memref<800000xi32, #tpu.memory_space<hbm>> -> memref<5000xi32, #tpu.memory_space<hbm>>
      %dma_wait3A_17 = tpu.memref_slice %arg4[%add3A_12] : memref<800000xi32, #tpu.memory_space<hbm>> -> memref<5000xi32, #tpu.memory_space<hbm>>
      tpu.wait_dma2 semaphore(%run_scoped3A : memref<!tpu.dma_semaphore, #tpu.memory_space<semaphore_mem>>) src(%dma_wait3A_17 : memref<5000xi32, #tpu.memory_space<hbm>>) dst(%arg9 : memref<5000xi32, #tpu.memory_space<vmem>>)
      tpu.yield
    }) : () -> ()
    "tpu.region"() ({
      %run_scoped3A = tpu.sem_alloc : memref<!tpu.dma_semaphore, #tpu.memory_space<semaphore_mem>>
      %dma_start3A = arith.constant 0 : i32
      %dma_start3A_16 = arith.constant 0 : i32
      %dma_start3A_17 = tpu.memref_slice %arg10[%dma_start3A, %dma_start3A_16] : memref<50176x8xf32, #tpu.memory_space<vmem_shared>> -> memref<50176x8xf32, #tpu.memory_space<vmem_shared>>
      tpu.enqueue_indirect_dma source(%arg8 : memref<5000x8xf32, #tpu.memory_space<vmem>>) target(%dma_start3A_17 : memref<50176x8xf32, #tpu.memory_space<vmem_shared>>) offsets(%arg9 : memref<5000xi32, #tpu.memory_space<vmem>>) semaphore(%run_scoped3A : memref<!tpu.dma_semaphore, #tpu.memory_space<semaphore_mem>>) {add = true}
      %dma_wait3A = arith.constant 0 : i32
      %dma_wait3A_18 = arith.constant 0 : i32
      %dma_wait3A_19 = tpu.memref_slice %arg10[%dma_wait3A, %dma_wait3A_18] : memref<50176x8xf32, #tpu.memory_space<vmem_shared>> -> memref<50176x8xf32, #tpu.memory_space<vmem_shared>>
      tpu.wait_indirect_dma semaphore(%run_scoped3A : memref<!tpu.dma_semaphore, #tpu.memory_space<semaphore_mem>>) src(%arg8 : memref<5000x8xf32, #tpu.memory_space<vmem>>) dst(%dma_wait3A_19 : memref<50176x8xf32, #tpu.memory_space<vmem_shared>>)
      tpu.yield
    }) : () -> ()
    %add3A_13 = arith.constant 20000 : i32
    %add3A_14 = arith.addi %mul3A_4, %add3A_13 : i32
    "tpu.region"() ({
      %run_scoped3A = tpu.sem_alloc : memref<!tpu.dma_semaphore, #tpu.memory_space<semaphore_mem>>
      %dma_start3A = tpu.memref_slice %arg3[%add3A_14] : memref<800000xi32, #tpu.memory_space<hbm>> -> memref<5000xi32, #tpu.memory_space<hbm>>
      %dma_start3A_16 = tpu.memref_slice %arg3[%add3A_14] : memref<800000xi32, #tpu.memory_space<hbm>> -> memref<5000xi32, #tpu.memory_space<hbm>>
      tpu.enqueue_dma source(%dma_start3A_16 : memref<5000xi32, #tpu.memory_space<hbm>>) target(%arg7 : memref<5000xi32, #tpu.memory_space<vmem>>) target_semaphore(%run_scoped3A : memref<!tpu.dma_semaphore, #tpu.memory_space<semaphore_mem>>)
      %dma_wait3A = tpu.memref_slice %arg3[%add3A_14] : memref<800000xi32, #tpu.memory_space<hbm>> -> memref<5000xi32, #tpu.memory_space<hbm>>
      %dma_wait3A_17 = tpu.memref_slice %arg3[%add3A_14] : memref<800000xi32, #tpu.memory_space<hbm>> -> memref<5000xi32, #tpu.memory_space<hbm>>
      tpu.wait_dma2 semaphore(%run_scoped3A : memref<!tpu.dma_semaphore, #tpu.memory_space<semaphore_mem>>) src(%dma_wait3A_17 : memref<5000xi32, #tpu.memory_space<hbm>>) dst(%arg7 : memref<5000xi32, #tpu.memory_space<vmem>>)
      tpu.yield
    }) : () -> ()
    "tpu.region"() ({
      %run_scoped3A = tpu.sem_alloc : memref<!tpu.dma_semaphore, #tpu.memory_space<semaphore_mem>>
      %dma_start3A = arith.constant 0 : i32
      %dma_start3A_16 = arith.constant 0 : i32
      %dma_start3A_17 = tpu.memref_slice %arg2[%dma_start3A, %dma_start3A_16] : memref<50176x8xf32, #tpu.memory_space<hbm>> -> memref<50176x8xf32, #tpu.memory_space<hbm>>
      tpu.enqueue_indirect_dma source(%dma_start3A_17 : memref<50176x8xf32, #tpu.memory_space<hbm>>) target(%arg8 : memref<5000x8xf32, #tpu.memory_space<vmem>>) offsets(%arg7 : memref<5000xi32, #tpu.memory_space<vmem>>) semaphore(%run_scoped3A : memref<!tpu.dma_semaphore, #tpu.memory_space<semaphore_mem>>)
      %dma_wait3A = arith.constant 0 : i32
      %dma_wait3A_18 = arith.constant 0 : i32
      %dma_wait3A_19 = tpu.memref_slice %arg2[%dma_wait3A, %dma_wait3A_18] : memref<50176x8xf32, #tpu.memory_space<hbm>> -> memref<50176x8xf32, #tpu.memory_space<hbm>>
      tpu.wait_indirect_dma semaphore(%run_scoped3A : memref<!tpu.dma_semaphore, #tpu.memory_space<semaphore_mem>>) src(%dma_wait3A_19 : memref<50176x8xf32, #tpu.memory_space<hbm>>) dst(%arg8 : memref<5000x8xf32, #tpu.memory_space<vmem>>)
      tpu.yield
    }) : () -> ()
    "tpu.region"() ({
      %run_scoped3A = tpu.sem_alloc : memref<!tpu.dma_semaphore, #tpu.memory_space<semaphore_mem>>
      %dma_start3A = tpu.memref_slice %arg4[%add3A_14] : memref<800000xi32, #tpu.memory_space<hbm>> -> memref<5000xi32, #tpu.memory_space<hbm>>
      %dma_start3A_16 = tpu.memref_slice %arg4[%add3A_14] : memref<800000xi32, #tpu.memory_space<hbm>> -> memref<5000xi32, #tpu.memory_space<hbm>>
      tpu.enqueue_dma source(%dma_start3A_16 : memref<5000xi32, #tpu.memory_space<hbm>>) target(%arg9 : memref<5000xi32, #tpu.memory_space<vmem>>) target_semaphore(%run_scoped3A : memref<!tpu.dma_semaphore, #tpu.memory_space<semaphore_mem>>)
      %dma_wait3A = tpu.memref_slice %arg4[%add3A_14] : memref<800000xi32, #tpu.memory_space<hbm>> -> memref<5000xi32, #tpu.memory_space<hbm>>
      %dma_wait3A_17 = tpu.memref_slice %arg4[%add3A_14] : memref<800000xi32, #tpu.memory_space<hbm>> -> memref<5000xi32, #tpu.memory_space<hbm>>
      tpu.wait_dma2 semaphore(%run_scoped3A : memref<!tpu.dma_semaphore, #tpu.memory_space<semaphore_mem>>) src(%dma_wait3A_17 : memref<5000xi32, #tpu.memory_space<hbm>>) dst(%arg9 : memref<5000xi32, #tpu.memory_space<vmem>>)
      tpu.yield
    }) : () -> ()
    "tpu.region"() ({
      %run_scoped3A = tpu.sem_alloc : memref<!tpu.dma_semaphore, #tpu.memory_space<semaphore_mem>>
      %dma_start3A = arith.constant 0 : i32
      %dma_start3A_16 = arith.constant 0 : i32
      %dma_start3A_17 = tpu.memref_slice %arg10[%dma_start3A, %dma_start3A_16] : memref<50176x8xf32, #tpu.memory_space<vmem_shared>> -> memref<50176x8xf32, #tpu.memory_space<vmem_shared>>
      tpu.enqueue_indirect_dma source(%arg8 : memref<5000x8xf32, #tpu.memory_space<vmem>>) target(%dma_start3A_17 : memref<50176x8xf32, #tpu.memory_space<vmem_shared>>) offsets(%arg9 : memref<5000xi32, #tpu.memory_space<vmem>>) semaphore(%run_scoped3A : memref<!tpu.dma_semaphore, #tpu.memory_space<semaphore_mem>>) {add = true}
      %dma_wait3A = arith.constant 0 : i32
      %dma_wait3A_18 = arith.constant 0 : i32
      %dma_wait3A_19 = tpu.memref_slice %arg10[%dma_wait3A, %dma_wait3A_18] : memref<50176x8xf32, #tpu.memory_space<vmem_shared>> -> memref<50176x8xf32, #tpu.memory_space<vmem_shared>>
      tpu.wait_indirect_dma semaphore(%run_scoped3A : memref<!tpu.dma_semaphore, #tpu.memory_space<semaphore_mem>>) src(%arg8 : memref<5000x8xf32, #tpu.memory_space<vmem>>) dst(%dma_wait3A_19 : memref<50176x8xf32, #tpu.memory_space<vmem_shared>>)
      tpu.yield
    }) : () -> ()
    %barrier3A_15 = arith.constant 0 : index
    tpu.barrier barrier_id(%barrier3A_15)
    "tpu.region"() ({
      %run_scoped3A = tpu.sem_alloc : memref<!tpu.dma_semaphore, #tpu.memory_space<semaphore_mem>>
      %dma_start3A = arith.constant 0 : i32
      %dma_start3A_16 = tpu.memref_slice %arg6[%arg0, %mul3A_0, %dma_start3A] : memref<2x50176x8xf32, #tpu.memory_space<hbm>> -> memref<1x3136x8xf32, #tpu.memory_space<hbm>>
      %dma_start3A_17 = tpu.memref_squeeze %dma_start3A_16 : memref<1x3136x8xf32, #tpu.memory_space<hbm>> -> memref<3136x8xf32, #tpu.memory_space<hbm>>
      %dma_start3A_18 = arith.constant 0 : i32
      %dma_start3A_19 = tpu.memref_slice %arg10[%mul3A_0, %dma_start3A_18] : memref<50176x8xf32, #tpu.memory_space<vmem_shared>> -> memref<3136x8xf32, #tpu.memory_space<vmem_shared>>
      tpu.enqueue_dma source(%dma_start3A_19 : memref<3136x8xf32, #tpu.memory_space<vmem_shared>>) target(%dma_start3A_17 : memref<3136x8xf32, #tpu.memory_space<hbm>>) target_semaphore(%run_scoped3A : memref<!tpu.dma_semaphore, #tpu.memory_space<semaphore_mem>>)
      %dma_wait3A = arith.constant 0 : i32
      %dma_wait3A_20 = tpu.memref_slice %arg6[%arg0, %mul3A_0, %dma_wait3A] : memref<2x50176x8xf32, #tpu.memory_space<hbm>> -> memref<1x3136x8xf32, #tpu.memory_space<hbm>>
      %dma_wait3A_21 = tpu.memref_squeeze %dma_wait3A_20 : memref<1x3136x8xf32, #tpu.memory_space<hbm>> -> memref<3136x8xf32, #tpu.memory_space<hbm>>
      %dma_wait3A_22 = arith.constant 0 : i32
      %dma_wait3A_23 = tpu.memref_slice %arg10[%mul3A_0, %dma_wait3A_22] : memref<50176x8xf32, #tpu.memory_space<vmem_shared>> -> memref<3136x8xf32, #tpu.memory_space<vmem_shared>>
      tpu.wait_dma2 semaphore(%run_scoped3A : memref<!tpu.dma_semaphore, #tpu.memory_space<semaphore_mem>>) src(%dma_wait3A_23 : memref<3136x8xf32, #tpu.memory_space<vmem_shared>>) dst(%dma_wait3A_21 : memref<3136x8xf32, #tpu.memory_space<hbm>>)
      tpu.yield
    }) : () -> ()
    return
  }
}

module attributes {stable_mosaic.version = 14 : i64} {
  func.func @_pool_body(%arg0: i32, %arg1: memref<2048x256xf32, #tpu.memory_space<vmem>>, %arg2: memref<1x1x2048xf32, #tpu.memory_space<vmem>>, %arg3: memref<512x256xf32, #tpu.memory_space<vmem>>) attributes {dimension_semantics = [#tpu.dimension_semantics<arbitrary>], iteration_bounds = array<i64: 25>, scalar_prefetch = 0 : i64, scratch_operands = 0 : i64, tpu.core_type = #tpu.core_type<tc>, window_params = [{transform_indices = @transform_0, window_bounds = array<i64: 2048, 256>}, {transform_indices = @transform_1, window_bounds = array<i64: 1, 1, 2048>}, {pipeline_mode = #tpu.pipeline_mode<synchronous>, transform_indices = @transform_2, window_bounds = array<i64: 512, 256>}]} {
    %eq3A = arith.constant 0 : i32
    %eq3A_0 = arith.cmpi eq, %arg0, %eq3A : i32
    %convert_element_type3A = arith.extui %eq3A_0 : i1 to i32
    %cond3A = arith.constant 0 : i32
    %cond3A_1 = arith.cmpi ne, %convert_element_type3A, %cond3A : i32
    scf.if %cond3A_1 {
      %broadcast_in_dim3A = arith.constant 0.000000e+00 : f32
      %broadcast_in_dim3A_20 = vector.broadcast %broadcast_in_dim3A : f32 to vector<512x256xf32>
      %swap3A_21 = arith.constant 0 : index
      %swap3A_22 = arith.constant 0 : index
      %swap3A_23 = vector.load %arg3[%swap3A_21, %swap3A_22] : memref<512x256xf32, #tpu.memory_space<vmem>>, vector<512x256xf32>
      tpu.vector_store %arg3[%swap3A_21, %swap3A_22], %broadcast_in_dim3A_20 {strides = array<i32>} : memref<512x256xf32, #tpu.memory_space<vmem>>, vector<512x256xf32>,
    } else {
    }
    %get3A = arith.constant 0 : index
    %get3A_2 = arith.constant 0 : index
    %get3A_3 = arith.constant 0 : index
    %get3A_4 = vector.load %arg2[%get3A, %get3A_2, %get3A_3] : memref<1x1x2048xf32, #tpu.memory_space<vmem>>, vector<1x1x2048xf32>
    %get3A_5 = vector.shape_cast %get3A_4 : vector<1x1x2048xf32> to vector<1x2048xf32>
    %iota3A = tpu.iota {dimensions = array<i32: 0>} : vector<512x2048xi32>
    %convert_element_type3A_6 = arith.sitofp %iota3A : vector<512x2048xi32> to vector<512x2048xf32>
    %eq3A_7 = vector.broadcast %get3A_5 : vector<1x2048xf32> to vector<512x2048xf32>
    %eq3A_8 = arith.cmpf oeq, %convert_element_type3A_6, %eq3A_7 : vector<512x2048xf32>
    %convert_element_type3A_9 = arith.extui %eq3A_8 : vector<512x2048xi1> to vector<512x2048xi32>
    %convert_element_type3A_10 = arith.sitofp %convert_element_type3A_9 : vector<512x2048xi32> to vector<512x2048xf32>
    %get3A_11 = arith.constant 0 : index
    %get3A_12 = arith.constant 0 : index
    %get3A_13 = vector.load %arg3[%get3A_11, %get3A_12] : memref<512x256xf32, #tpu.memory_space<vmem>>, vector<512x256xf32>
    %get3A_14 = arith.constant 0 : index
    %get3A_15 = arith.constant 0 : index
    %get3A_16 = vector.load %arg1[%get3A_14, %get3A_15] : memref<2048x256xf32, #tpu.memory_space<vmem>>, vector<2048x256xf32>
    %dot_general3A = arith.constant dense<0.000000e+00> : vector<512x256xf32>
    %dot_general3A_17 = tpu.matmul %convert_element_type3A_10, %get3A_16, %dot_general3A {dimension_numbers = #tpu.dot_dimension_numbers<[1], [0], [0], [1], [0, 0, 1, 1], [], []>, transpose_lhs_hint = false} : vector<512x2048xf32>, vector<2048x256xf32>, vector<512x256xf32> -> vector<512x256xf32>
    %add3A = arith.addf %get3A_13, %dot_general3A_17 : vector<512x256xf32>
    %swap3A = arith.constant 0 : index
    %swap3A_18 = arith.constant 0 : index
    %swap3A_19 = vector.load %arg3[%swap3A, %swap3A_18] : memref<512x256xf32, #tpu.memory_space<vmem>>, vector<512x256xf32>
    tpu.vector_store %arg3[%swap3A, %swap3A_18], %add3A {strides = array<i32>} : memref<512x256xf32, #tpu.memory_space<vmem>>, vector<512x256xf32>,
    return
  }
  func.func @transform_0(%arg0: i32) -> (i32, i32) {
    %c0_i32 = arith.constant 0 : i32
    %c0_i32_0 = arith.constant 0 : i32
    return %arg0, %c0_i32 : i32, i32
  }
  func.func @transform_1(%arg0: i32) -> (i32, i32, i32) {
    %c0_i32 = arith.constant 0 : i32
    %c0_i32_0 = arith.constant 0 : i32
    %c0_i32_1 = arith.constant 0 : i32
    return %arg0, %c0_i32, %c0_i32_0 : i32, i32, i32
  }
  func.func @transform_2(%arg0: i32) -> (i32, i32) {
    %c0_i32 = arith.constant 0 : i32
    %c0_i32_0 = arith.constant 0 : i32
    %c0_i32_1 = arith.constant 0 : i32
    return %c0_i32, %c0_i32_0 : i32, i32
  }
}

module attributes {stable_mosaic.version = 14 : i64} {
  func.func @_mlp_body(%arg0: i32, %arg1: memref<512x256xf32, #tpu.memory_space<vmem>>, %arg2: memref<512x768xf32, #tpu.memory_space<vmem>>, %arg3: memref<1x1x512xf32, #tpu.memory_space<vmem>>, %arg4: memref<1024x512xf32, #tpu.memory_space<vmem>>, %arg5: memref<1x512xf32, #tpu.memory_space<vmem>>, %arg6: memref<512x256xf32, #tpu.memory_space<vmem>>, %arg7: memref<1x256xf32, #tpu.memory_space<vmem>>, %arg8: memref<256x128xf32, #tpu.memory_space<vmem>>, %arg9: memref<1x128xf32, #tpu.memory_space<vmem>>, %arg10: memref<512x128xf32, #tpu.memory_space<vmem>>) attributes {dimension_semantics = [#tpu.dimension_semantics<arbitrary>], iteration_bounds = array<i64: 8>, scalar_prefetch = 0 : i64, scratch_operands = 0 : i64, tpu.core_type = #tpu.core_type<tc>, window_params = [{transform_indices = @transform_0, window_bounds = array<i64: 512, 256>}, {transform_indices = @transform_1, window_bounds = array<i64: 512, 768>}, {transform_indices = @transform_2, window_bounds = array<i64: 1, 1, 512>}, {pipeline_mode = #tpu.pipeline_mode<synchronous>, transform_indices = @transform_3, window_bounds = array<i64: 1024, 512>}, {pipeline_mode = #tpu.pipeline_mode<synchronous>, transform_indices = @transform_4, window_bounds = array<i64: 1, 512>}, {pipeline_mode = #tpu.pipeline_mode<synchronous>, transform_indices = @transform_5, window_bounds = array<i64: 512, 256>}, {pipeline_mode = #tpu.pipeline_mode<synchronous>, transform_indices = @transform_6, window_bounds = array<i64: 1, 256>}, {pipeline_mode = #tpu.pipeline_mode<synchronous>, transform_indices = @transform_7, window_bounds = array<i64: 256, 128>}, {pipeline_mode = #tpu.pipeline_mode<synchronous>, transform_indices = @transform_8, window_bounds = array<i64: 1, 128>}, {pipeline_mode = #tpu.pipeline_mode<synchronous>, transform_indices = @transform_9, window_bounds = array<i64: 512, 128>}]} {
    %eq3A = arith.constant 0 : i32
    %eq3A_0 = arith.cmpi eq, %arg0, %eq3A : i32
    %convert_element_type3A = arith.extui %eq3A_0 : i1 to i32
    %cond3A = arith.constant 0 : i32
    %cond3A_1 = arith.cmpi ne, %convert_element_type3A, %cond3A : i32
    scf.if %cond3A_1 {
      %broadcast_in_dim3A_76 = arith.constant 0.000000e+00 : f32
      %broadcast_in_dim3A_77 = vector.broadcast %broadcast_in_dim3A_76 : f32 to vector<512x128xf32>
      %swap3A_78 = arith.constant 0 : index
      %swap3A_79 = arith.constant 0 : index
      %swap3A_80 = vector.load %arg10[%swap3A_78, %swap3A_79] : memref<512x128xf32, #tpu.memory_space<vmem>>, vector<512x128xf32>
      tpu.vector_store %arg10[%swap3A_78, %swap3A_79], %broadcast_in_dim3A_77 {strides = array<i32>} : memref<512x128xf32, #tpu.memory_space<vmem>>, vector<512x128xf32>,
    } else {
    }
    %get3A = arith.constant 0 : index
    %get3A_2 = arith.constant 0 : index
    %get3A_3 = vector.load %arg4[%get3A, %get3A_2] : memref<1024x512xf32, #tpu.memory_space<vmem>>, vector<256x512xf32>
    %get3A_4 = arith.constant 256 : index
    %get3A_5 = arith.constant 0 : index
    %get3A_6 = vector.load %arg4[%get3A_4, %get3A_5] : memref<1024x512xf32, #tpu.memory_space<vmem>>, vector<768x512xf32>
    %get3A_7 = arith.constant 0 : index
    %get3A_8 = arith.constant 0 : index
    %get3A_9 = vector.load %arg1[%get3A_7, %get3A_8] : memref<512x256xf32, #tpu.memory_space<vmem>>, vector<512x256xf32>
    %dot_general3A = arith.constant dense<0.000000e+00> : vector<512x512xf32>
    %dot_general3A_10 = tpu.matmul %get3A_9, %get3A_3, %dot_general3A {dimension_numbers = #tpu.dot_dimension_numbers<[1], [0], [0], [1], [0, 0, 1, 1], [], []>, transpose_lhs_hint = false} : vector<512x256xf32>, vector<256x512xf32>, vector<512x512xf32> -> vector<512x512xf32>
    %get3A_11 = arith.constant 0 : index
    %get3A_12 = arith.constant 0 : index
    %get3A_13 = vector.load %arg2[%get3A_11, %get3A_12] : memref<512x768xf32, #tpu.memory_space<vmem>>, vector<512x768xf32>
    %dot_general3A_14 = arith.constant dense<0.000000e+00> : vector<512x512xf32>
    %dot_general3A_15 = tpu.matmul %get3A_13, %get3A_6, %dot_general3A_14 {dimension_numbers = #tpu.dot_dimension_numbers<[1], [0], [0], [1], [0, 0, 1, 1], [], []>, transpose_lhs_hint = false} : vector<512x768xf32>, vector<768x512xf32>, vector<512x512xf32> -> vector<512x512xf32>
    %add3A = arith.addf %dot_general3A_10, %dot_general3A_15 : vector<512x512xf32>
    %get3A_16 = arith.constant 0 : index
    %get3A_17 = arith.constant 0 : index
    %get3A_18 = vector.load %arg5[%get3A_16, %get3A_17] : memref<1x512xf32, #tpu.memory_space<vmem>>, vector<1x512xf32>
    %add3A_19 = vector.broadcast %get3A_18 : vector<1x512xf32> to vector<512x512xf32>
    %add3A_20 = arith.addf %add3A, %add3A_19 : vector<512x512xf32>
    %max3A = arith.constant 0.000000e+00 : f32
    %max3A_21 = vector.broadcast %max3A : f32 to vector<512x512xf32>
    %max3A_22 = arith.maximumf %add3A_20, %max3A_21 : vector<512x512xf32>
    %get3A_23 = arith.constant 0 : index
    %get3A_24 = arith.constant 0 : index
    %get3A_25 = vector.load %arg6[%get3A_23, %get3A_24] : memref<512x256xf32, #tpu.memory_space<vmem>>, vector<512x256xf32>
    %dot_general3A_26 = arith.constant dense<0.000000e+00> : vector<512x256xf32>
    %dot_general3A_27 = tpu.matmul %max3A_22, %get3A_25, %dot_general3A_26 {dimension_numbers = #tpu.dot_dimension_numbers<[1], [0], [0], [1], [0, 0, 1, 1], [], []>, transpose_lhs_hint = false} : vector<512x512xf32>, vector<512x256xf32>, vector<512x256xf32> -> vector<512x256xf32>
    %get3A_28 = arith.constant 0 : index
    %get3A_29 = arith.constant 0 : index
    %get3A_30 = vector.load %arg7[%get3A_28, %get3A_29] : memref<1x256xf32, #tpu.memory_space<vmem>>, vector<1x256xf32>
    %add3A_31 = vector.broadcast %get3A_30 : vector<1x256xf32> to vector<512x256xf32>
    %add3A_32 = arith.addf %dot_general3A_27, %add3A_31 : vector<512x256xf32>
    %max3A_33 = arith.constant 0.000000e+00 : f32
    %max3A_34 = vector.broadcast %max3A_33 : f32 to vector<512x256xf32>
    %max3A_35 = arith.maximumf %add3A_32, %max3A_34 : vector<512x256xf32>
    %get3A_36 = arith.constant 0 : index
    %get3A_37 = arith.constant 0 : index
    %get3A_38 = vector.load %arg8[%get3A_36, %get3A_37] : memref<256x128xf32, #tpu.memory_space<vmem>>, vector<256x128xf32>
    %dot_general3A_39 = arith.constant dense<0.000000e+00> : vector<512x128xf32>
    %dot_general3A_40 = tpu.matmul %max3A_35, %get3A_38, %dot_general3A_39 {dimension_numbers = #tpu.dot_dimension_numbers<[1], [0], [0], [1], [0, 0, 1, 1], [], []>, transpose_lhs_hint = false} : vector<512x256xf32>, vector<256x128xf32>, vector<512x128xf32> -> vector<512x128xf32>
    %get3A_41 = arith.constant 0 : index
    %get3A_42 = arith.constant 0 : index
    %get3A_43 = vector.load %arg9[%get3A_41, %get3A_42] : memref<1x128xf32, #tpu.memory_space<vmem>>, vector<1x128xf32>
    %add3A_44 = vector.broadcast %get3A_43 : vector<1x128xf32> to vector<512x128xf32>
    %add3A_45 = arith.addf %dot_general3A_40, %add3A_44 : vector<512x128xf32>
    %iota3A = tpu.iota {dimensions = array<i32: 1>} : vector<512x128xi32>
    %lt3A = arith.constant 2 : i32
    %lt3A_46 = vector.broadcast %lt3A : i32 to vector<512x128xi32>
    %lt3A_47 = arith.cmpi slt, %iota3A, %lt3A_46 : vector<512x128xi32>
    %jit3A = arith.constant -1.000000e+30 : f32
    %broadcast_in_dim3A = vector.broadcast %jit3A : f32 to vector<512x128xf32>
    %select_n3A = arith.select %lt3A_47, %add3A_45, %broadcast_in_dim3A : vector<512x128xi1>, vector<512x128xf32>
    %reduce_max3A = arith.constant dense<0xFF800000> : vector<512xf32>
    %reduce_max3A_48 = vector.multi_reduction <maximumf>, %select_n3A, %reduce_max3A [1] : vector<512x128xf32> to vector<512xf32>
    %max3A_49 = arith.constant 0xFF800000 : f32
    %max3A_50 = vector.broadcast %max3A_49 : f32 to vector<512xf32>
    %max3A_51 = arith.maximumf %max3A_50, %reduce_max3A_48 : vector<512xf32>
    %broadcast_in_dim3A_52 = vector.shape_cast %max3A_51 : vector<512xf32> to vector<512x1xf32>
    %sub3A = vector.broadcast %broadcast_in_dim3A_52 : vector<512x1xf32> to vector<512x128xf32>
    %sub3A_53 = arith.subf %select_n3A, %sub3A : vector<512x128xf32>
    %exp3A = math.exp %sub3A_53 : vector<512x128xf32>
    %reduce_sum3A = arith.constant dense<0.000000e+00> : vector<512xf32>
    %reduce_sum3A_54 = vector.multi_reduction <add>, %exp3A, %reduce_sum3A [1] : vector<512x128xf32> to vector<512xf32>
    %broadcast_in_dim3A_55 = vector.shape_cast %reduce_sum3A_54 : vector<512xf32> to vector<512x1xf32>
    %div3A = vector.broadcast %broadcast_in_dim3A_55 : vector<512x1xf32> to vector<512x128xf32>
    %div3A_56 = arith.divf %exp3A, %div3A : vector<512x128xf32>
    %get3A_57 = arith.constant 0 : index
    %get3A_58 = arith.constant 0 : index
    %get3A_59 = arith.constant 0 : index
    %get3A_60 = vector.load %arg3[%get3A_57, %get3A_58, %get3A_59] : memref<1x1x512xf32, #tpu.memory_space<vmem>>, vector<1x1x512xf32>
    %get3A_61 = vector.shape_cast %get3A_60 : vector<1x1x512xf32> to vector<1x512xf32>
    %iota3A_62 = tpu.iota {dimensions = array<i32: 0>} : vector<512x512xi32>
    %convert_element_type3A_63 = arith.sitofp %iota3A_62 : vector<512x512xi32> to vector<512x512xf32>
    %eq3A_64 = vector.broadcast %get3A_61 : vector<1x512xf32> to vector<512x512xf32>
    %eq3A_65 = arith.cmpf oeq, %convert_element_type3A_63, %eq3A_64 : vector<512x512xf32>
    %convert_element_type3A_66 = arith.extui %eq3A_65 : vector<512x512xi1> to vector<512x512xi32>
    %convert_element_type3A_67 = arith.sitofp %convert_element_type3A_66 : vector<512x512xi32> to vector<512x512xf32>
    %get3A_68 = arith.constant 0 : index
    %get3A_69 = arith.constant 0 : index
    %get3A_70 = vector.load %arg10[%get3A_68, %get3A_69] : memref<512x128xf32, #tpu.memory_space<vmem>>, vector<512x128xf32>
    %dot_general3A_71 = arith.constant dense<0.000000e+00> : vector<512x128xf32>
    %dot_general3A_72 = tpu.matmul %convert_element_type3A_67, %div3A_56, %dot_general3A_71 {dimension_numbers = #tpu.dot_dimension_numbers<[1], [0], [0], [1], [0, 0, 1, 1], [], []>, transpose_lhs_hint = false} : vector<512x512xf32>, vector<512x128xf32>, vector<512x128xf32> -> vector<512x128xf32>
    %add3A_73 = arith.addf %get3A_70, %dot_general3A_72 : vector<512x128xf32>
    %swap3A = arith.constant 0 : index
    %swap3A_74 = arith.constant 0 : index
    %swap3A_75 = vector.load %arg10[%swap3A, %swap3A_74] : memref<512x128xf32, #tpu.memory_space<vmem>>, vector<512x128xf32>
    tpu.vector_store %arg10[%swap3A, %swap3A_74], %add3A_73 {strides = array<i32>} : memref<512x128xf32, #tpu.memory_space<vmem>>, vector<512x128xf32>,
    return
  }
  func.func @transform_0(%arg0: i32) -> (i32, i32) {
    %c0_i32 = arith.constant 0 : i32
    %c0_i32_0 = arith.constant 0 : i32
    return %arg0, %c0_i32 : i32, i32
  }
  func.func @transform_1(%arg0: i32) -> (i32, i32) {
    %c0_i32 = arith.constant 0 : i32
    %c0_i32_0 = arith.constant 0 : i32
    return %arg0, %c0_i32 : i32, i32
  }
  func.func @transform_2(%arg0: i32) -> (i32, i32, i32) {
    %c0_i32 = arith.constant 0 : i32
    %c0_i32_0 = arith.constant 0 : i32
    %c0_i32_1 = arith.constant 0 : i32
    return %arg0, %c0_i32, %c0_i32_0 : i32, i32, i32
  }
  func.func @transform_3(%arg0: i32) -> (i32, i32) {
    %c0_i32 = arith.constant 0 : i32
    %c0_i32_0 = arith.constant 0 : i32
    %c0_i32_1 = arith.constant 0 : i32
    return %c0_i32, %c0_i32_0 : i32, i32
  }
  func.func @transform_4(%arg0: i32) -> (i32, i32) {
    %c0_i32 = arith.constant 0 : i32
    %c0_i32_0 = arith.constant 0 : i32
    %c0_i32_1 = arith.constant 0 : i32
    return %c0_i32, %c0_i32_0 : i32, i32
  }
  func.func @transform_5(%arg0: i32) -> (i32, i32) {
    %c0_i32 = arith.constant 0 : i32
    %c0_i32_0 = arith.constant 0 : i32
    %c0_i32_1 = arith.constant 0 : i32
    return %c0_i32, %c0_i32_0 : i32, i32
  }
  func.func @transform_6(%arg0: i32) -> (i32, i32) {
    %c0_i32 = arith.constant 0 : i32
    %c0_i32_0 = arith.constant 0 : i32
    %c0_i32_1 = arith.constant 0 : i32
    return %c0_i32, %c0_i32_0 : i32, i32
  }
  func.func @transform_7(%arg0: i32) -> (i32, i32) {
    %c0_i32 = arith.constant 0 : i32
    %c0_i32_0 = arith.constant 0 : i32
    %c0_i32_1 = arith.constant 0 : i32
    return %c0_i32, %c0_i32_0 : i32, i32
  }
  func.func @transform_8(%arg0: i32) -> (i32, i32) {
    %c0_i32 = arith.constant 0 : i32
    %c0_i32_0 = arith.constant 0 : i32
    %c0_i32_1 = arith.constant 0 : i32
    return %c0_i32, %c0_i32_0 : i32, i32
  }
  func.func @transform_9(%arg0: i32) -> (i32, i32) {
    %c0_i32 = arith.constant 0 : i32
    %c0_i32_0 = arith.constant 0 : i32
    %c0_i32_1 = arith.constant 0 : i32
    return %c0_i32, %c0_i32_0 : i32, i32
  }
}

module attributes {stable_mosaic.version = 14 : i64} {
  func.func @_cls_body(%arg0: memref<512x256xf32, #tpu.memory_space<vmem>>, %arg1: memref<512x256xf32, #tpu.memory_space<vmem>>, %arg2: memref<512x1xf32, #tpu.memory_space<vmem>>, %arg3: memref<256x256xf32, #tpu.memory_space<vmem>>, %arg4: memref<1x256xf32, #tpu.memory_space<vmem>>, %arg5: memref<256x128xf32, #tpu.memory_space<vmem>>, %arg6: memref<1x128xf32, #tpu.memory_space<vmem>>, %arg7: memref<256x256xf32, #tpu.memory_space<vmem>>, %arg8: memref<1x256xf32, #tpu.memory_space<vmem>>, %arg9: memref<256x128xf32, #tpu.memory_space<vmem>>, %arg10: memref<1x128xf32, #tpu.memory_space<vmem>>, %arg11: memref<512x128xf32, #tpu.memory_space<vmem>>, %arg12: memref<512x128xf32, #tpu.memory_space<vmem>>) attributes {dimension_semantics = [], scalar_prefetch = 0 : i64, scratch_operands = 0 : i64, tpu.core_type = #tpu.core_type<tc>} {
    %get3A = arith.constant 0 : index
    %get3A_0 = arith.constant 0 : index
    %get3A_1 = vector.load %arg2[%get3A, %get3A_0] : memref<512x1xf32, #tpu.memory_space<vmem>>, vector<512x1xf32>
    %get3A_2 = arith.constant 0 : index
    %get3A_3 = arith.constant 0 : index
    %get3A_4 = vector.load %arg0[%get3A_2, %get3A_3] : memref<512x256xf32, #tpu.memory_space<vmem>>, vector<512x256xf32>
    %div3A = vector.broadcast %get3A_1 : vector<512x1xf32> to vector<512x256xf32>
    %div3A_5 = arith.divf %get3A_4, %div3A : vector<512x256xf32>
    %get3A_6 = arith.constant 0 : index
    %get3A_7 = arith.constant 0 : index
    %get3A_8 = vector.load %arg3[%get3A_6, %get3A_7] : memref<256x256xf32, #tpu.memory_space<vmem>>, vector<256x256xf32>
    %dot_general3A = arith.constant dense<0.000000e+00> : vector<512x256xf32>
    %dot_general3A_9 = tpu.matmul %div3A_5, %get3A_8, %dot_general3A {dimension_numbers = #tpu.dot_dimension_numbers<[1], [0], [0], [1], [0, 0, 1, 1], [], []>, transpose_lhs_hint = false} : vector<512x256xf32>, vector<256x256xf32>, vector<512x256xf32> -> vector<512x256xf32>
    %get3A_10 = arith.constant 0 : index
    %get3A_11 = arith.constant 0 : index
    %get3A_12 = vector.load %arg4[%get3A_10, %get3A_11] : memref<1x256xf32, #tpu.memory_space<vmem>>, vector<1x256xf32>
    %add3A = vector.broadcast %get3A_12 : vector<1x256xf32> to vector<512x256xf32>
    %add3A_13 = arith.addf %dot_general3A_9, %add3A : vector<512x256xf32>
    %max3A = arith.constant 0.000000e+00 : f32
    %max3A_14 = vector.broadcast %max3A : f32 to vector<512x256xf32>
    %max3A_15 = arith.maximumf %add3A_13, %max3A_14 : vector<512x256xf32>
    %get3A_16 = arith.constant 0 : index
    %get3A_17 = arith.constant 0 : index
    %get3A_18 = vector.load %arg5[%get3A_16, %get3A_17] : memref<256x128xf32, #tpu.memory_space<vmem>>, vector<256x128xf32>
    %dot_general3A_19 = arith.constant dense<0.000000e+00> : vector<512x128xf32>
    %dot_general3A_20 = tpu.matmul %max3A_15, %get3A_18, %dot_general3A_19 {dimension_numbers = #tpu.dot_dimension_numbers<[1], [0], [0], [1], [0, 0, 1, 1], [], []>, transpose_lhs_hint = false} : vector<512x256xf32>, vector<256x128xf32>, vector<512x128xf32> -> vector<512x128xf32>
    %get3A_21 = arith.constant 0 : index
    %get3A_22 = arith.constant 0 : index
    %get3A_23 = vector.load %arg6[%get3A_21, %get3A_22] : memref<1x128xf32, #tpu.memory_space<vmem>>, vector<1x128xf32>
    %add3A_24 = vector.broadcast %get3A_23 : vector<1x128xf32> to vector<512x128xf32>
    %add3A_25 = arith.addf %dot_general3A_20, %add3A_24 : vector<512x128xf32>
    %swap3A = arith.constant 0 : index
    %swap3A_26 = arith.constant 0 : index
    %swap3A_27 = vector.load %arg11[%swap3A, %swap3A_26] : memref<512x128xf32, #tpu.memory_space<vmem>>, vector<512x128xf32>
    tpu.vector_store %arg11[%swap3A, %swap3A_26], %add3A_25 {strides = array<i32>} : memref<512x128xf32, #tpu.memory_space<vmem>>, vector<512x128xf32>,
    %get3A_28 = arith.constant 0 : index
    %get3A_29 = arith.constant 0 : index
    %get3A_30 = vector.load %arg0[%get3A_28, %get3A_29] : memref<512x256xf32, #tpu.memory_space<vmem>>, vector<512x256xf32>
    %get3A_31 = arith.constant 0 : index
    %get3A_32 = arith.constant 0 : index
    %get3A_33 = vector.load %arg1[%get3A_31, %get3A_32] : memref<512x256xf32, #tpu.memory_space<vmem>>, vector<512x256xf32>
    %add3A_34 = arith.addf %get3A_30, %get3A_33 : vector<512x256xf32>
    %div3A_35 = vector.broadcast %get3A_1 : vector<512x1xf32> to vector<512x256xf32>
    %div3A_36 = arith.divf %add3A_34, %div3A_35 : vector<512x256xf32>
    %get3A_37 = arith.constant 0 : index
    %get3A_38 = arith.constant 0 : index
    %get3A_39 = vector.load %arg7[%get3A_37, %get3A_38] : memref<256x256xf32, #tpu.memory_space<vmem>>, vector<256x256xf32>
    %dot_general3A_40 = arith.constant dense<0.000000e+00> : vector<512x256xf32>
    %dot_general3A_41 = tpu.matmul %div3A_36, %get3A_39, %dot_general3A_40 {dimension_numbers = #tpu.dot_dimension_numbers<[1], [0], [0], [1], [0, 0, 1, 1], [], []>, transpose_lhs_hint = false} : vector<512x256xf32>, vector<256x256xf32>, vector<512x256xf32> -> vector<512x256xf32>
    %get3A_42 = arith.constant 0 : index
    %get3A_43 = arith.constant 0 : index
    %get3A_44 = vector.load %arg8[%get3A_42, %get3A_43] : memref<1x256xf32, #tpu.memory_space<vmem>>, vector<1x256xf32>
    %add3A_45 = vector.broadcast %get3A_44 : vector<1x256xf32> to vector<512x256xf32>
    %add3A_46 = arith.addf %dot_general3A_41, %add3A_45 : vector<512x256xf32>
    %max3A_47 = arith.constant 0.000000e+00 : f32
    %max3A_48 = vector.broadcast %max3A_47 : f32 to vector<512x256xf32>
    %max3A_49 = arith.maximumf %add3A_46, %max3A_48 : vector<512x256xf32>
    %get3A_50 = arith.constant 0 : index
    %get3A_51 = arith.constant 0 : index
    %get3A_52 = vector.load %arg9[%get3A_50, %get3A_51] : memref<256x128xf32, #tpu.memory_space<vmem>>, vector<256x128xf32>
    %dot_general3A_53 = arith.constant dense<0.000000e+00> : vector<512x128xf32>
    %dot_general3A_54 = tpu.matmul %max3A_49, %get3A_52, %dot_general3A_53 {dimension_numbers = #tpu.dot_dimension_numbers<[1], [0], [0], [1], [0, 0, 1, 1], [], []>, transpose_lhs_hint = false} : vector<512x256xf32>, vector<256x128xf32>, vector<512x128xf32> -> vector<512x128xf32>
    %get3A_55 = arith.constant 0 : index
    %get3A_56 = arith.constant 0 : index
    %get3A_57 = vector.load %arg10[%get3A_55, %get3A_56] : memref<1x128xf32, #tpu.memory_space<vmem>>, vector<1x128xf32>
    %add3A_58 = vector.broadcast %get3A_57 : vector<1x128xf32> to vector<512x128xf32>
    %add3A_59 = arith.addf %dot_general3A_54, %add3A_58 : vector<512x128xf32>
    %swap3A_60 = arith.constant 0 : index
    %swap3A_61 = arith.constant 0 : index
    %swap3A_62 = vector.load %arg12[%swap3A_60, %swap3A_61] : memref<512x128xf32, #tpu.memory_space<vmem>>, vector<512x128xf32>
    tpu.vector_store %arg12[%swap3A_60, %swap3A_61], %add3A_59 {strides = array<i32>} : memref<512x128xf32, #tpu.memory_space<vmem>>, vector<512x128xf32>,
    return
  }
}

</mosaic_0001>

<sc_bundles>
// kernel: gather_offload_async_start.1
scs
__scs_entry_jumppad:
0x0: {  	(pc) =	sbr.rel $0x88, $3  }
0x1: {  	(tag) =	ssettag $0x0;
	lr =	simm.s32 $0x1  }
0x2: {  	[smem:$0x3F88] =	sst lr;
	_ =	strace $0xD0000000  }
0x3: {  	_ = 	snop  }
0x4: {  	_ = 	snop  }
0x5: {  	_ = 	snop  }
0x6: {  	_ = 	snop  }
0x7: {  	_ = 	snop  }
__scs_overlays_trampoline_lowered:
0x8: {  	[smem:$0x3F97] =	sst s0  }
0x9: {  	[smem:$0x3F98] =	sst s1  }
0xa: {  	[smem:$0x3F99] =	sst s2  }
0xb: {  	[smem:$0x3F9A] =	sst s3  }
0xc: {  	[smem:$0x3F9B] =	sst s4  }
0xd: {  	[smem:$0x3F9C] =	sst s5  }
0xe: {  	[smem:$0x3F9D] =	sst s6  }
0xf: {  	[smem:$0x3F9E] =	sst s7  }
0x10: {  	[smem:$0x3F9F] =	sst s8  }
0x11: {  	[smem:$0x3FA0] =	sst s9;
	s0 =	simm.s32 @!p0 $0x0  }
0x12: {  	s1 =	sld [smem:$0x3F86];
	s0 =	simm.s32 @p0 $0x1  }
0x13: {  	[smem:$0x3FA1] =	sst s0;
	s0 =	simm.s32 @!p1 $0x0  }
0x14: {  	s2 =	sld [smem:$0x3F85];
	s0 =	simm.s32 @p1 $0x1  }
0x15: {  	[smem:$0x3FA2] =	sst s0;
	s0 =	simm.s32 @!p2 $0x0  }
0x16: {  	s3 =	sld [smem:$0x3FDB];
	s0 =	simm.s32 @p2 $0x1  }
0x17: {  	s4 =	simm.s32 $0x1BF5;
	[smem:$0x3FA4] =	sst s0  }
0x18: {  	s0 =	sld [smem:$0x3F87];
	_ =	swait.ge [sflag:s4], $0x0  }
0x19: {  	s7 =	sld [smem:$0x3F88]  }
0x1a: {  	s8 =	sadd.s32 $0xFFFFE003, lr  }
0x1b: {  	s9 =	sadd.s32 $0xFFFFFEF7, lr;
	s5 =	simm.s32 $0xFFFFFFFF;
	p2 =	slt.u32 s8, $0xFFFFF086  }
0x1c: {  	p1 =	slt.u32 s9, $0xF7A;
	s5 =	simm.s32 @!p2 $0x0  }
0x1d: {  	s5 =	simm.s32 @p1 $0x1;
	p0 =	seq.s32 s7, s2  }
0x1e: {  	s7 =	smul.u32 @!p0 $0xF7A, s2;
	p2 =	seq.s32 @!p0 s5, $0x0  }
0x1f: {  	s9 =	smul.u32 $0xF7A, s1;
	s8 =	simm.s32 @!p0 $0x1BF5;
	p2 =	por !p2, p0  }
0x20: {  	[sflag:s8] =	ssyncset.s32 @!p0 $0xFFFFF086;
	s6 =	sadd.s32 @!p0 s3, s7;
	s7 =	simm.s32 @!p0 $0x108  }
0x21: {  	s3 =	sadd.s32 s3, s9;
	s6 =	sadd.s32 @!p0 $0x88, s6;
	s7 =	simm.s32 @p2 $0x1082  }
0x22: {  	[simem:s7], [sflag:s8] =	dma.local @!p0 [hbm:s6], $0xF7A  }
0x23: {  	s9 =	sor.u32 $0xD0000000, s2;
	s6 =	simm.s32 $0x108;
	_ =	swait.ge @!p0 [sflag:s8], $0x0  }
0x24: {  	s3 =	sadd.s32 $0x88, s3;
	s6 =	simm.s32 @!p1 $0x1082;
	[sflag:s4] =	ssyncset.s32 $0xFFFFF086  }
0x25: {  	[simem:s6], [sflag:s4] =	dma.local [hbm:s3], $0xF7A  }
0x26: {  	[smem:$0x3F88] =	sst s1;
	(tag) =	ssettag s2;
	_ =	strace s9  }
0x27: {  	s1 =	sld [smem:$0x3F98]  }
0x28: {  	s2 =	sld [smem:$0x3F99]  }
0x29: {  	s4 =	sld [smem:$0x3F9B]  }
0x2a: {  	p0 =	seq.s32 s5, $0x0;
	s5 =	sld [smem:$0x3F9C]  }
0x2b: {  	s6 =	sld [smem:$0x3F9D]  }
0x2c: {  	s7 =	sld [smem:$0x3F9E]  }
0x2d: {  	s3 =	simm.s32 $0x108;
	s8 =	sld [smem:$0x3F9F]  }
0x2e: {  	s3 =	simm.s32 @!p0 $0x1082;
	s9 =	sld [smem:$0x3FA0]  }
0x2f: {  	lr =	sadd.s32 s0, s3;
	s0 =	sld [smem:$0x3F97]  }
0x30: {  	s3 =	sld [smem:$0x3F9A]  }
0x31: {  	[smem:$0x3FA3] =	sst s10  }
0x32: {  	s10 =	sld [smem:$0x3FA1];
	_ =	sdelay $0x3  }
0x33: {  	p0 =	seq.s32 s10, $0x1;
	s10 =	sld [smem:$0x3FA3];
	_ =	sdelay $0x3  }
0x34: {  	[smem:$0x3FA3] =	sst s10  }
0x35: {  	s10 =	sld [smem:$0x3FA2];
	_ =	sdelay $0x3  }
0x36: {  	p1 =	seq.s32 s10, $0x1;
	s10 =	sld [smem:$0x3FA3];
	_ =	sdelay $0x3  }
0x37: {  	[smem:$0x3FA3] =	sst s10  }
0x38: {  	s10 =	sld [smem:$0x3FA4]  }
0x39: {  	_ = 	snop;
	(pc) =	sbr.ind lr, $3  }
0x3a: {  	_ = 	snop  }
0x3b: {  	_ = 	snop  }
0x3c: {  	p2 =	seq.s32 s10, $0x1;
	s10 =	sld [smem:$0x3FA3]  }
0x3d: {  	_ =	shalt  }
0x3e: {  	_ =	shalt  }
0x3f: {  	_ =	shalt  }
0x40: {  	_ =	shalt  }
0x41: {  	_ =	shalt  }
0x42: {  	_ =	shalt  }
0x43: {  	_ =	shalt  }
0x44: {  	_ =	shalt  }
0x45: {  	_ =	shalt  }
0x46: {  	_ =	shalt  }
0x47: {  	_ =	shalt  }
0x48: {  	_ =	shalt  }
0x49: {  	_ =	shalt  }
0x4a: {  	_ =	shalt  }
0x4b: {  	_ =	shalt  }
0x4c: {  	_ =	shalt  }
0x4d: {  	_ =	shalt  }
0x4e: {  	_ =	shalt  }
0x4f: {  	_ =	shalt  }
0x50: {  	_ =	shalt  }
0x51: {  	_ =	shalt  }
0x52: {  	_ =	shalt  }
0x53: {  	_ =	shalt  }
0x54: {  	_ =	shalt  }
0x55: {  	_ =	shalt  }
0x56: {  	_ =	shalt  }
0x57: {  	_ =	shalt  }
0x58: {  	_ =	shalt  }
0x59: {  	_ =	shalt  }
0x5a: {  	_ =	shalt  }
0x5b: {  	_ =	shalt  }
0x5c: {  	_ =	shalt  }
0x5d: {  	_ =	shalt  }
0x5e: {  	_ =	shalt  }
0x5f: {  	_ =	shalt  }
0x60: {  	_ =	shalt  }
0x61: {  	_ =	shalt  }
0x62: {  	_ =	shalt  }
0x63: {  	_ =	shalt  }
0x64: {  	_ =	shalt  }
0x65: {  	_ =	shalt  }
0x66: {  	_ =	shalt  }
0x67: {  	_ =	shalt  }
0x68: {  	_ =	shalt  }
0x69: {  	_ =	shalt  }
0x6a: {  	_ =	shalt  }
0x6b: {  	_ =	shalt  }
0x6c: {  	_ =	shalt  }
0x6d: {  	_ =	shalt  }
0x6e: {  	_ =	shalt  }
0x6f: {  	_ =	shalt  }
0x70: {  	_ =	shalt  }
0x71: {  	_ =	shalt  }
0x72: {  	_ =	shalt  }
0x73: {  	_ =	shalt  }
0x74: {  	_ =	shalt  }
0x75: {  	_ =	shalt  }
0x76: {  	_ =	shalt  }
0x77: {  	_ =	shalt  }
0x78: {  	_ =	shalt  }
0x79: {  	_ =	shalt  }
0x7a: {  	_ =	shalt  }
0x7b: {  	_ =	shalt  }
0x7c: {  	_ =	shalt  }
0x7d: {  	_ =	shalt  }
0x7e: {  	_ =	shalt  }
0x7f: {  	_ =	shalt  }
0x80: {  	_ =	shalt  }
0x81: {  	_ =	shalt  }
0x82: {  	_ =	shalt  }
0x83: {  	_ =	shalt  }
0x84: {  	_ =	shalt  }
0x85: {  	_ =	shalt  }
0x86: {  	_ =	shalt  }
0x87: {  	_ =	shalt  }
.Lfunc_end0:
.L_simem_size_0:
called_computation.2_lowered:
.L_overlay_start_0:
0x88: {  	s2 =	sld [smem:$0x3FD9]  }
0x89: {  	s3 =	sld [smem:$0x3FFE];
	_ =	sdelay $0x1  }
0x8a: {  	s1 =	srdreg.scid  }
0x8b: {  	s0 =	sand.u32 $0x1, s1  }
0x8c: {  	s17 =	sshll.u32 s0, $0xA;
	s2 =	sadd.s32 s3, s2  }
0x8d: {  	s2 =	sadd.s32 s2, s17  }
0x8e: {  	[smem:$0x3FAF] =	sst s2  }
0x8f: {  	_ = 	snop  }
0x90: {  	s18 =	sld [smem:$0x3FC9];
	(tm) =	ssettm $0x1  }
0x91: {  	s19 =	sld [smem:$0x3FFB];
	_ =	sdelay $0x3  }
0x92: {  	_ =	strace s19  }
0x93: {  	s2 =	sld [smem:$0x3FFC];
	_ =	sdelay $0x3  }
0x94: {  	_ =	strace s2  }
0x95: {  	s2 =	sld [smem:$0x3FFD];
	_ =	sdelay $0x3  }
0x96: {  	_ =	strace s2  }
0x97: {  	_ =	strace $0x8FFFFFFF  }
0x98: {  	s20 =	sld [smem:$0x3FDB];
	_ =	sdelay $0x1  }
0x99: {  	s4 =	simm.s32 $_scs_section_size  }
0x9a: {  	s5 =	simm.s32 $_size__tile_overlayer_lowered;
	s6 =	simm.s32 $_tile_overlayer_lowered  }
0x9b: {  	s7 =	simm.s32 $0x1BFF;
	s21 =	sshll.u32 s6, $0x1;
	s4 =	sadd.s32 s4, s20  }
0x9c: {  	s22 =	simm.s32 $0x0;
	s5 =	sshll.u32 s5, $0x1;
	s6 =	sadd.s32 s21, s4  }
0x9d: {  	[timem:s22], [sflag:s7] =	dma.local [hbm:s6], s5  }
0x9e: {  	_ =	swait.ge [sflag:s7], s5  }
0x9f: {  	s5 =	ssub.s32 $0x0, s5;
	[sflag:s7] =	ssyncset.done $0x0  }
0xa0: {  	[sflag:s7] =	ssyncadd.s32 s5;
	_ =	sdelay $0x1  }
0xa1: {  	s23 =	simm.s32 $0x1B8B  }
0xa2: {  	_ =	swait.ge [sflag:s23], $0x1  }
0xa3: {  	[sflag:s23] =	ssyncset.done $0x0  }
0xa4: {  	[sflag:s23] =	ssyncadd.s32 $0xFFFFFFFF  }
0xa5: {  	s5 =	sld [smem:$0x0]  }
0xa6: {  	s6 =	sand.u32 $0xFFFFFFFE, s1  }
0xa7: {  	p0 =	sne.s32 s1, s6  }
0xa8: {  	s6 =	sshll.u32 @p0 s6, $0xE  }
0xa9: {  	s6 =	sadd.s32 @p0 $0x11B8D, s6;
	s7 =	sshll.u32 @p0 s5, $0x11  }
0xaa: {  	s6 =	sor.u32 @p0 s7, s6  }
0xab: {  	[sflag:s6] =	ssyncadd.remote.s32 @p0 $0x1;
	_ =	sdelay $0x1  }
0xac: {  	s6 =	simm.s32 @p0 $0x1B8D  }
0xad: {  	_ =	swait.eq @p0 [sflag:s6], $0x1  }
0xae: {  	[sflag:s6] =	ssyncadd.s32 @p0 $0xFFFFFFFF  }
0xaf: {  	s7 =	sshll.u32 @!p0 s1, $0xE  }
0xb0: {  	s7 =	sor.u32 @!p0 $0x4000, s7;
	s6 =	simm.s32 @!p0 $0x1B8D  }
0xb1: {  	s5 =	sshll.u32 @!p0 s5, $0x11;
	s7 =	sadd.s32 @!p0 $0x11B8D, s7;
	_ =	swait.eq @!p0 [sflag:s6], $0x1  }
0xb2: {  	s5 =	sor.u32 @!p0 s5, s7;
	[sflag:s6] =	ssyncadd.s32 @!p0 $0xFFFFFFFF  }
0xb3: {  	s25 =	simm.s32 $0x1B8E;
	s24 =	sld [smem:$0x3FFE];
	[sflag:s5] =	ssyncadd.remote.s32 @!p0 $0x1  }
0xb4: {  	s26 =	simm.s32 $execute0_lowered;
	[smem:$0x3FD2] =	sst s25  }
0xb5: {  	s6 =	sshll.u32 s26, $0x1;
	_ =	strace $0x80000052;
	[dreg:$0x1] =	wrdreg $0xFFFFFFFF  }
0xb6: {  	s28 =	simm.s32 $_size_execute0_lowered;
	s4 =	sadd.s32 s4, s6;
	[dreg:$0x0] =	wrdreg $0x0  }
0xb7: {  	s6 =	sshll.u32 s28, $0x1;
	[dreg:$0x2] =	wrdreg s4  }
0xb8: {  	[dreg:$0x3] =	wrdreg s6  }
0xb9: {  	[dreg:$0x4] =	wrdreg $0xC0  }
0xba: {  	_ =	task [dreg:s22], $0x5FFFF  }
0xbb: {  	[dreg:$0x1] =	wrdreg $0xFFFFFFFF  }
0xbc: {  	[dreg:$0x0] =	wrdreg $0x60  }
0xbd: {  	[dreg:$0x2] =	wrdreg s18  }
0xbe: {  	[dreg:$0x3] =	wrdreg s24  }
0xbf: {  	[dreg:$0x4] =	wrdreg $0x9  }
0xc0: {  	_ =	task.clear_ibuf [dreg:s22], $0x5FFFF;
	_ =	strace $0x90000052  }
0xc1: {  	s29 =	simm.s32 $0x9;
	_ =	strace $0x80000054  }
0xc2: {  	_ =	swait.ge [sflag:s29], $0x1  }
0xc3: {  	[sflag:s29] =	ssyncadd.s32 $0xFFFFFFFF  }
0xc4: {  	_ =	strace $0x90000054  }
0xc5: {  	_ =	sfence  }
0xc6: {  	s30 =	sld [smem:$0x0];
	_ =	sdelay $0x2  }
0xc7: {  	s31 =	sshll.u32 s1, $0xD;
	s1 =	sshrl.u32 s1, $0x2  }
0xc8: {  	s4 =	sand.u32 $0x4000, s31;
	s1 =	sadd.s32 s1, s30  }
0xc9: {  	s0 =	sor.u32 s4, s0;
	s1 =	sshll.u32 s1, $0x11  }
0xca: {  	s0 =	sor.u32 s1, s0  }
0xcb: {  	s0 =	sadd.s32 $0x8F2B, s0  }
0xcc: {  	[sflag:s0] =	ssyncadd.remote.s32 $0x1  }
0xcd: {  	_ =	sfence.sel $0xFFFF  }
0xce: {  	[dreg:$0x0] =	wrdreg $0xFFFFFFFF;
	(pc) =	sbr.abs _section_cstart, $3  }
0xcf: {  	[dreg:$0x1] =	wrdreg $0xFFFFFFFF  }
0xd0: {  	_ =	task.clear_ibuf [dreg:s22], $0x2FFFF;
	_ =	strace $0x9FFFFFFF  }
0xd1: {  	(tm) =	ssettm $0x7FFFFFFF  }
tec
execute0_lowered:
.L_overlay_start_1:
0x0: {  	(tag) =	ssettag $0x1  }
0x1: {  	s2 =	rddreg [dreg:$0x0]  }
0x2: {  	s3 =	rddreg [dreg:$0x1]  }
0x3: {  	s0 =	rddreg [dreg:$0x2];
	s1 =	srdreg.scid;
	_ =	strace $0x80000053  }
0x4: {  	s4 =	simm.s32 $0x1;
	s9 =	simm.s32 $0x3;
	s5 =	sshll.u32 s1, $0x4  }
.Ltmp0:
0x5: {  	s1 =	stileid.u32;
	s5 =	sand.u32 $0x10, s5;
	(pc) =	sbr.rel .LBB2_1-.Ltmp0, $4  }
0x6: {  	s12 =	simm.s32 $0x0;
	s10 =	simm.s32 $0x0;
	s6 =	sor.u32 s1, s5  }
0x7: {  	[sflag:s4] =	ssyncpa.u1 $0x0;
	s5 =	simm.s32 $0x2;
	s6 =	sshll.u32 s6, $0x7  }
0x8: {  	s7 =	sadd.s32 $0x400, s3;
	[sflag:s5] =	ssyncpa.u1 $0x0;
	s8 =	sadd.s32 $0x80, s6  }
0x9: {  	vm0 =	vmmov $0xff;
	vm1 =	vcmask $0x3F20;
	[sflag:s9] =	ssyncpa.u1 $0x0;
	s9 =	simm.s32 $0x80;
	s11 =	smov.u32 s6  }
.LBB2_10:
0xa: {  	[hbm:s16] =	stream.linear.scatter [tilespmem:s13], [sflag:$0x3], $0x800, $0x38;
	[tilespmem:$0x10100] =	vst v63  }
.LBB2_11:
0xb: {  	p0 =	seq.s32 s10, $0x2  }
.Ltmp1:
0xc: {  	_ = 	snop;
	(pc) =	sbr.rel @p0 .LBB2_13-.Ltmp1, $1  }
0xd: {  	_ =	sdelay $0x3  }
.LBB2_12:
0xe: {  	s12 =	sadd.s32 $0x80, s11  }
0xf: {  	s13 =	smov.u32 s6;
	p0 =	slt.s32 s12, s8  }
0x10: {  	s13 =	smov.u32 @p0 s12  }
0x11: {  	s10 =	sadd.s32 $0x1, s10;
	s12 =	smov.u32 s11;
	s11 =	smov.u32 s13  }
.LBB2_1:
0x12: {  	p0 =	sne.s32 s10, $0x0  }
.Ltmp2:
0x13: {  	_ = 	snop;
	(pc) =	sbr.rel @!p0 .LBB2_2-.Ltmp2, $1  }
0x14: {  	_ =	sdelay $0x3  }
0x15: {  	s13 =	sand.u32 $0x1, s10  }
0x16: {  	p0 =	seq.s32 s13, $0x0  }
.Ltmp3:
0x17: {  	_ = 	snop;
	(pc) =	sbr.rel @p0 .LBB2_11-.Ltmp3, $1  }
0x18: {  	_ =	sdelay $0x3  }
0x19: {  	_ =	swait.ge [sflag:s5], $0x80  }
0x1a: {  	[sflag:s5] =	ssyncset.done $0x0  }
0x1b: {  	s13 =	simm.s32 $0x0;
	[sflag:s5] =	ssyncadd.s32 $0xFFFFFF80  }
.LBB2_5:
0x1c: {  	s14 =	sshll.u32 s13, $0x4  }
0x1d: {  	s14 =	sand.u32 $0x3FFFFFF0, s14  }
0x1e: {  	v0 =	vld.msk [tilespmem:s14+$0x80 ss:$0x1], $0xffff;
	_ =	sdelay $0x4  }
0x1f: {  	vm2 =	vgt.s32 v0, $0x0  }
0x20: {  	v0 =	vnsel vm2, $0x0, v0  }
0x21: {  	v0 =	vmin.u32 v0, $0xC34F  }
0x22: {  	s31 =	sshll.u32 s13, $0xC;
	v1 =	vshll.u32 v0, $0x5;
	v0 =	vshll.u32 v0, $0x4  }
0x23: {  	s14 =	sand.u32 $0x3FFFF000, s31;
	v1 =	vand.u32 $0x1FFF00, v1;
	v0 =	vand.u32 $0x70, v0  }
0x24: {  	p0 =	por $0x1, $0x1;
	s15 =	simm.s32 $0x0;
	s14 =	sadd.s32 $0x8100, s14;
	v0 =	vor.u32 v0, v1  }
.LBB2_6:
0x25: {  	_ =	sdelay $0x1  }
0x26: {  	s15 =	sshra.s32 s15, $0x2;
	p1 =	por p0, p0  }
.Ltmp4:
0x27: {  	s15 =	sadd.s32 s15, s14;
	(pc) =	sbr.rel @p1 .LBB2_6-.Ltmp4, $4  }
0x28: {  	[tilespmem:s15], [sflag:$0x1] =	stream.indirect_vreg.gather [hbm:s2], $0x80, v0, vm0, $0x38;
	[tilespmem:$0x10100] =	vst v63  }
0x29: {  	s15 =	sadd.s32 $0x800, s15  }
0x2a: {  	[tilespmem:s15], [sflag:$0x1] =	stream.indirect_vreg.gather [hbm:s2], $0x80, v0, vm1, $0x38;
	[tilespmem:$0x10100] =	vst v63  }
0x2b: {  	p0 =	por $0x0, $0x0;
	v0 =	vadd.s32 $0x80, v0;
	s15 =	simm.s32 $0x1000  }
0x2c: {  	s13 =	sadd.s32 $0x1, s13  }
0x2d: {  	p0 =	sne.s32 s13, $0x8  }
.Ltmp5:
0x2e: {  	_ = 	snop;
	(pc) =	sbr.rel @p0 .LBB2_5-.Ltmp5, $1  }
0x2f: {  	_ =	sdelay $0x3  }
0x30: {  	s13 =	sshll.u32 s12, $0x5  }
0x31: {  	_ =	swait.ge [sflag:s4], $0x8000;
	s31 =	sshll.u32 s12, $0x4;
	s13 =	sand.u32 $0xFFFFFF00, s13  }
0x32: {  	s14 =	simm.s32 $0x100;
	s12 =	sand.u32 $0x70, s31;
	s13 =	sadd.s32 s13, s7  }
0x33: {  	s15 =	simm.s32 $0x8900;
	[sflag:s4] =	ssyncset.done $0x0;
	s12 =	sadd.s32 s12, s13  }
0x34: {  	[sflag:s4] =	ssyncadd.s32 $0xFFFF8000;
	s13 =	simm.s32 $0x8100;
	s16 =	sadd.s32 $0x0, s12  }
.LBB2_9:
0x35: {  	[hbm:s16] =	stream.linear.scatter [tilespmem:s13], [sflag:$0x3], $0x800, $0x38;
	[tilespmem:$0x10100] =	vst v63  }
0x36: {  	s16 =	smov.u32 s14;
	s13 =	smov.u32 s15;
	p0 =	sne.s32 s14, $0xF00  }
.Ltmp6:
0x37: {  	s14 =	sadd.s32 $0x100, s14;
	(pc) =	sbr.rel @p0 .LBB2_9-.Ltmp6, $2  }
0x38: {  	_ =	sdelay $0x2  }
0x39: {  	s15 =	sadd.s32 $0x800, s15;
	s16 =	sadd.s32 s16, s12  }
.Ltmp7:
0x3a: {  	_ = 	snop;
	(pc) =	sbr.rel .LBB2_10-.Ltmp7, $1  }
0x3b: {  	_ =	sdelay $0x3  }
.LBB2_2:
.Ltmp8:
0x3c: {  	(pc) =	sbr.rel .LBB2_12-.Ltmp8, $4  }
0x3d: {  	_ = 	snop  }
0x3e: {  	s12 =	sshrl.u32 s11, $0x3  }
0x3f: {  	s13 =	sand.u32 $0x7, s11;
	s12 =	sadd.s32 s3, s12  }
0x40: {  	[tilespmem:s9], [sflag:$0x2] =	stream.linear.gather [hbm4b:s12+s13], $0x80, $0x38;
	[tilespmem:$0x10100] =	vst v63  }
.LBB2_13:
0x41: {  	s2 =	simm.s32 $0x3  }
0x42: {  	_ =	swait.ge [sflag:s2], $0x8000  }
0x43: {  	[sflag:s2] =	ssyncset.done $0x0  }
0x44: {  	[sflag:s2] =	ssyncadd.s32 $0xFFFF8000  }
0x45: {  	_ =	sfence.sel $0x180000  }
0x46: {  	s3 =	simm.s32 $0x2;
	[bflag:$0x0] =	sbarrier.arrive $0xFFFF  }
0x47: {  	[sflag:s3] =	ssyncpa.u1 $0x1  }
0x48: {  	s31 =	simm.s32 $0x1;
	[sflag:s2] =	ssyncpa.u1 $0x1  }
0x49: {  	[sflag:s31] =	ssyncpa.u1 $0x1  }
0x4a: {  	p0 =	sne.s32 s1, $0x0;
	_ =	strace $0x90000053  }
0x4b: {  	s0 =	sadd.s32 @!p0 $0x100000, s0;
	[bflag:$0x2] =	sbarrier.arrive $0xFFFF  }
0x4c: {  	[sflag:s0] =	ssyncadd.tile.s32 @!p0 $0x1;
	_ =	shalt  }
.Lfunc_end2:
_tile_overlayer_lowered:
.L_overlay_start_2:
0x4d: {  	(tag) =	ssettag $0x2  }
0x4e: {  	s0 =	rddreg [dreg:$0x0];
	s2 =	stileid.u32  }
0x4f: {  	s1 =	rddreg [dreg:$0x1];
	p0 =	sne.s32 s2, $0x0  }
0x50: {  	s3 =	rddreg [dreg:$0x2];
	[bflag:$0x3] =	sbarrier.arrive $0xFFFF;
	s2 =	simm.s32 @!p0 $0x1C01  }
0x51: {  	[timem:s3], [sflag:s2] =	dma.local @!p0 [hbm:s0], s1  }
0x52: {  	s0 =	simm.s32 @!p0 $0x1  }
0x53: {  	_ =	swait.ge @!p0 [sflag:s0], s1  }
0x54: {  	s1 =	ssub.s32 @!p0 $0x0, s1;
	[sflag:s0] =	ssyncset.done @!p0 $0x0  }
0x55: {  	[sflag:s0] =	ssyncadd.s32 @!p0 s1  }
0x56: {  	[bflag:$0x3] =	sbarrier.arrive $0xFFFF  }
0x57: {  	_ =	shalt  }

// kernel: gather_offload_async_start.2
scs
__scs_entry_jumppad:
0x0: {  	(pc) =	sbr.rel $0x88, $3  }
0x1: {  	(tag) =	ssettag $0x0;
	lr =	simm.s32 $0x1  }
0x2: {  	[smem:$0x3F88] =	sst lr;
	_ =	strace $0xD0000000  }
0x3: {  	_ = 	snop  }
0x4: {  	_ = 	snop  }
0x5: {  	_ = 	snop  }
0x6: {  	_ = 	snop  }
0x7: {  	_ = 	snop  }
__scs_overlays_trampoline_lowered:
0x8: {  	[smem:$0x3F97] =	sst s0  }
0x9: {  	[smem:$0x3F98] =	sst s1  }
0xa: {  	[smem:$0x3F99] =	sst s2  }
0xb: {  	[smem:$0x3F9A] =	sst s3  }
0xc: {  	[smem:$0x3F9B] =	sst s4  }
0xd: {  	[smem:$0x3F9C] =	sst s5  }
0xe: {  	[smem:$0x3F9D] =	sst s6  }
0xf: {  	[smem:$0x3F9E] =	sst s7  }
0x10: {  	[smem:$0x3F9F] =	sst s8  }
0x11: {  	[smem:$0x3FA0] =	sst s9;
	s0 =	simm.s32 @!p0 $0x0  }
0x12: {  	s1 =	sld [smem:$0x3F86];
	s0 =	simm.s32 @p0 $0x1  }
0x13: {  	[smem:$0x3FA1] =	sst s0;
	s0 =	simm.s32 @!p1 $0x0  }
0x14: {  	s2 =	sld [smem:$0x3F85];
	s0 =	simm.s32 @p1 $0x1  }
0x15: {  	[smem:$0x3FA2] =	sst s0;
	s0 =	simm.s32 @!p2 $0x0  }
0x16: {  	s3 =	sld [smem:$0x3FDB];
	s0 =	simm.s32 @p2 $0x1  }
0x17: {  	s4 =	simm.s32 $0x1BF5;
	[smem:$0x3FA4] =	sst s0  }
0x18: {  	s0 =	sld [smem:$0x3F87];
	_ =	swait.ge [sflag:s4], $0x0  }
0x19: {  	s7 =	sld [smem:$0x3F88]  }
0x1a: {  	s8 =	sadd.s32 $0xFFFFE003, lr  }
0x1b: {  	s9 =	sadd.s32 $0xFFFFFEF7, lr;
	s5 =	simm.s32 $0xFFFFFFFF;
	p2 =	slt.u32 s8, $0xFFFFF086  }
0x1c: {  	p1 =	slt.u32 s9, $0xF7A;
	s5 =	simm.s32 @!p2 $0x0  }
0x1d: {  	s5 =	simm.s32 @p1 $0x1;
	p0 =	seq.s32 s7, s2  }
0x1e: {  	s7 =	smul.u32 @!p0 $0xF7A, s2;
	p2 =	seq.s32 @!p0 s5, $0x0  }
0x1f: {  	s9 =	smul.u32 $0xF7A, s1;
	s8 =	simm.s32 @!p0 $0x1BF5;
	p2 =	por !p2, p0  }
0x20: {  	[sflag:s8] =	ssyncset.s32 @!p0 $0xFFFFF086;
	s6 =	sadd.s32 @!p0 s3, s7;
	s7 =	simm.s32 @!p0 $0x108  }
0x21: {  	s3 =	sadd.s32 s3, s9;
	s6 =	sadd.s32 @!p0 $0x88, s6;
	s7 =	simm.s32 @p2 $0x1082  }
0x22: {  	[simem:s7], [sflag:s8] =	dma.local @!p0 [hbm:s6], $0xF7A  }
0x23: {  	s9 =	sor.u32 $0xD0000000, s2;
	s6 =	simm.s32 $0x108;
	_ =	swait.ge @!p0 [sflag:s8], $0x0  }
0x24: {  	s3 =	sadd.s32 $0x88, s3;
	s6 =	simm.s32 @!p1 $0x1082;
	[sflag:s4] =	ssyncset.s32 $0xFFFFF086  }
0x25: {  	[simem:s6], [sflag:s4] =	dma.local [hbm:s3], $0xF7A  }
0x26: {  	[smem:$0x3F88] =	sst s1;
	(tag) =	ssettag s2;
	_ =	strace s9  }
0x27: {  	s1 =	sld [smem:$0x3F98]  }
0x28: {  	s2 =	sld [smem:$0x3F99]  }
0x29: {  	s4 =	sld [smem:$0x3F9B]  }
0x2a: {  	p0 =	seq.s32 s5, $0x0;
	s5 =	sld [smem:$0x3F9C]  }
0x2b: {  	s6 =	sld [smem:$0x3F9D]  }
0x2c: {  	s7 =	sld [smem:$0x3F9E]  }
0x2d: {  	s3 =	simm.s32 $0x108;
	s8 =	sld [smem:$0x3F9F]  }
0x2e: {  	s3 =	simm.s32 @!p0 $0x1082;
	s9 =	sld [smem:$0x3FA0]  }
0x2f: {  	lr =	sadd.s32 s0, s3;
	s0 =	sld [smem:$0x3F97]  }
0x30: {  	s3 =	sld [smem:$0x3F9A]  }
0x31: {  	[smem:$0x3FA3] =	sst s10  }
0x32: {  	s10 =	sld [smem:$0x3FA1];
	_ =	sdelay $0x3  }
0x33: {  	p0 =	seq.s32 s10, $0x1;
	s10 =	sld [smem:$0x3FA3];
	_ =	sdelay $0x3  }
0x34: {  	[smem:$0x3FA3] =	sst s10  }
0x35: {  	s10 =	sld [smem:$0x3FA2];
	_ =	sdelay $0x3  }
0x36: {  	p1 =	seq.s32 s10, $0x1;
	s10 =	sld [smem:$0x3FA3];
	_ =	sdelay $0x3  }
0x37: {  	[smem:$0x3FA3] =	sst s10  }
0x38: {  	s10 =	sld [smem:$0x3FA4]  }
0x39: {  	_ = 	snop;
	(pc) =	sbr.ind lr, $3  }
0x3a: {  	_ = 	snop  }
0x3b: {  	_ = 	snop  }
0x3c: {  	p2 =	seq.s32 s10, $0x1;
	s10 =	sld [smem:$0x3FA3]  }
0x3d: {  	_ =	shalt  }
0x3e: {  	_ =	shalt  }
0x3f: {  	_ =	shalt  }
0x40: {  	_ =	shalt  }
0x41: {  	_ =	shalt  }
0x42: {  	_ =	shalt  }
0x43: {  	_ =	shalt  }
0x44: {  	_ =	shalt  }
0x45: {  	_ =	shalt  }
0x46: {  	_ =	shalt  }
0x47: {  	_ =	shalt  }
0x48: {  	_ =	shalt  }
0x49: {  	_ =	shalt  }
0x4a: {  	_ =	shalt  }
0x4b: {  	_ =	shalt  }
0x4c: {  	_ =	shalt  }
0x4d: {  	_ =	shalt  }
0x4e: {  	_ =	shalt  }
0x4f: {  	_ =	shalt  }
0x50: {  	_ =	shalt  }
0x51: {  	_ =	shalt  }
0x52: {  	_ =	shalt  }
0x53: {  	_ =	shalt  }
0x54: {  	_ =	shalt  }
0x55: {  	_ =	shalt  }
0x56: {  	_ =	shalt  }
0x57: {  	_ =	shalt  }
0x58: {  	_ =	shalt  }
0x59: {  	_ =	shalt  }
0x5a: {  	_ =	shalt  }
0x5b: {  	_ =	shalt  }
0x5c: {  	_ =	shalt  }
0x5d: {  	_ =	shalt  }
0x5e: {  	_ =	shalt  }
0x5f: {  	_ =	shalt  }
0x60: {  	_ =	shalt  }
0x61: {  	_ =	shalt  }
0x62: {  	_ =	shalt  }
0x63: {  	_ =	shalt  }
0x64: {  	_ =	shalt  }
0x65: {  	_ =	shalt  }
0x66: {  	_ =	shalt  }
0x67: {  	_ =	shalt  }
0x68: {  	_ =	shalt  }
0x69: {  	_ =	shalt  }
0x6a: {  	_ =	shalt  }
0x6b: {  	_ =	shalt  }
0x6c: {  	_ =	shalt  }
0x6d: {  	_ =	shalt  }
0x6e: {  	_ =	shalt  }
0x6f: {  	_ =	shalt  }
0x70: {  	_ =	shalt  }
0x71: {  	_ =	shalt  }
0x72: {  	_ =	shalt  }
0x73: {  	_ =	shalt  }
0x74: {  	_ =	shalt  }
0x75: {  	_ =	shalt  }
0x76: {  	_ =	shalt  }
0x77: {  	_ =	shalt  }
0x78: {  	_ =	shalt  }
0x79: {  	_ =	shalt  }
0x7a: {  	_ =	shalt  }
0x7b: {  	_ =	shalt  }
0x7c: {  	_ =	shalt  }
0x7d: {  	_ =	shalt  }
0x7e: {  	_ =	shalt  }
0x7f: {  	_ =	shalt  }
0x80: {  	_ =	shalt  }
0x81: {  	_ =	shalt  }
0x82: {  	_ =	shalt  }
0x83: {  	_ =	shalt  }
0x84: {  	_ =	shalt  }
0x85: {  	_ =	shalt  }
0x86: {  	_ =	shalt  }
0x87: {  	_ =	shalt  }
.Lfunc_end0:
.L_simem_size_0:
called_computation.3_lowered:
.L_overlay_start_0:
0x88: {  	s2 =	sld [smem:$0x3FD9]  }
0x89: {  	s3 =	sld [smem:$0x3FFE];
	_ =	sdelay $0x1  }
0x8a: {  	s1 =	srdreg.scid  }
0x8b: {  	s0 =	sand.u32 $0x1, s1  }
0x8c: {  	s17 =	sshll.u32 s0, $0xA;
	s2 =	sadd.s32 s3, s2  }
0x8d: {  	s2 =	sadd.s32 s2, s17  }
0x8e: {  	[smem:$0x3FAF] =	sst s2  }
0x8f: {  	_ = 	snop  }
0x90: {  	s2 =	sld [smem:$0x3FC3];
	(tm) =	ssettm $0x1  }
0x91: {  	s18 =	sld [smem:$0x3FFB];
	_ =	sdelay $0x3  }
0x92: {  	_ =	strace s18  }
0x93: {  	s3 =	sld [smem:$0x3FFC];
	_ =	sdelay $0x3  }
0x94: {  	_ =	strace s3  }
0x95: {  	s3 =	sld [smem:$0x3FFD];
	_ =	sdelay $0x3  }
0x96: {  	_ =	strace s3  }
0x97: {  	_ =	strace $0x8FFFFFFF  }
0x98: {  	s19 =	sld [smem:$0x3FDB];
	_ =	sdelay $0x1  }
0x99: {  	s4 =	simm.s32 $_scs_section_size  }
0x9a: {  	s5 =	simm.s32 $_size__tile_overlayer_lowered;
	s6 =	simm.s32 $_tile_overlayer_lowered  }
0x9b: {  	s22 =	simm.s32 $0x1BFF;
	s21 =	sshll.u32 s6, $0x1;
	s3 =	sadd.s32 s4, s19  }
0x9c: {  	s7 =	simm.s32 $0x0;
	s20 =	sshll.u32 s5, $0x1;
	s5 =	sadd.s32 s21, s3  }
0x9d: {  	[timem:s7], [sflag:s22] =	dma.local [hbm:s5], s20  }
0x9e: {  	_ =	swait.ge [sflag:s22], s20  }
0x9f: {  	s4 =	ssub.s32 $0x0, s20;
	[sflag:s22] =	ssyncset.done $0x0  }
0xa0: {  	[sflag:s22] =	ssyncadd.s32 s4;
	_ =	sdelay $0x1  }
0xa1: {  	s23 =	simm.s32 $0x1B8B  }
0xa2: {  	_ =	swait.ge [sflag:s23], $0x1  }
0xa3: {  	[sflag:s23] =	ssyncset.done $0x0  }
0xa4: {  	s25 =	simm.s32 $0x1B8E;
	s24 =	sld [smem:$0x3FFE];
	[sflag:s23] =	ssyncadd.s32 $0xFFFFFFFF  }
0xa5: {  	s26 =	simm.s32 $execute0_lowered;
	[smem:$0x3FD2] =	sst s25  }
0xa6: {  	s5 =	sshll.u32 s26, $0x1;
	_ =	strace $0x8000004F;
	[dreg:$0x1] =	wrdreg $0xFFFFFFFF  }
0xa7: {  	s28 =	simm.s32 $_size_execute0_lowered;
	s3 =	sadd.s32 s3, s5;
	[dreg:$0x0] =	wrdreg $0x0  }
0xa8: {  	s5 =	sshll.u32 s28, $0x1;
	[dreg:$0x2] =	wrdreg s3  }
0xa9: {  	[dreg:$0x3] =	wrdreg s5  }
0xaa: {  	[dreg:$0x4] =	wrdreg $0xC0  }
0xab: {  	_ =	task [dreg:s7], $0x5FFFF  }
0xac: {  	[dreg:$0x1] =	wrdreg $0xFFFFFFFF  }
0xad: {  	[dreg:$0x0] =	wrdreg $0x60  }
0xae: {  	[dreg:$0x2] =	wrdreg s2  }
0xaf: {  	[dreg:$0x3] =	wrdreg s24  }
0xb0: {  	[dreg:$0x4] =	wrdreg $0xA  }
0xb1: {  	_ =	task.clear_ibuf [dreg:s7], $0x5FFFF;
	_ =	strace $0x9000004F  }
0xb2: {  	s29 =	simm.s32 $0xA;
	_ =	strace $0x80000051  }
0xb3: {  	_ =	swait.ge [sflag:s29], $0x1  }
0xb4: {  	[sflag:s29] =	ssyncadd.s32 $0xFFFFFFFF  }
0xb5: {  	_ =	strace $0x90000051  }
0xb6: {  	_ =	sfence  }
0xb7: {  	s30 =	sld [smem:$0x0];
	_ =	sdelay $0x2  }
0xb8: {  	s31 =	sshll.u32 s1, $0xD;
	s1 =	sshrl.u32 s1, $0x2  }
0xb9: {  	s3 =	sand.u32 $0x4000, s31;
	s1 =	sadd.s32 s1, s30  }
0xba: {  	s0 =	sor.u32 s3, s0;
	s1 =	sshll.u32 s1, $0x11  }
0xbb: {  	s0 =	sor.u32 s1, s0  }
0xbc: {  	s0 =	sadd.s32 $0x8F2B, s0  }
0xbd: {  	[sflag:s0] =	ssyncadd.remote.s32 $0x1  }
0xbe: {  	_ =	sfence.sel $0xFFFF  }
0xbf: {  	[dreg:$0x0] =	wrdreg $0xFFFFFFFF;
	(pc) =	sbr.abs _section_cstart, $3  }
0xc0: {  	[dreg:$0x1] =	wrdreg $0xFFFFFFFF  }
0xc1: {  	_ =	task.clear_ibuf [dreg:s7], $0x2FFFF;
	_ =	strace $0x9FFFFFFF  }
0xc2: {  	(tm) =	ssettm $0x7FFFFFFF  }
0xc3: {  	_ =	shalt  }
tec
execute0_lowered:
.L_overlay_start_1:
0x0: {  	(tag) =	ssettag $0x1  }
0x1: {  	s1 =	srdreg.scid;
	s2 =	rddreg [dreg:$0x0]  }
0x2: {  	s0 =	stileid.u32;
	s3 =	rddreg [dreg:$0x1]  }
0x3: {  	s6 =	simm.s32 $0x1;
	s9 =	simm.s32 $0x1;
	s1 =	sshll.u32 s1, $0x6  }
0x4: {  	s10 =	simm.s32 $0x3;
	s4 =	sshll.u32 s0, $0x7;
	s5 =	sand.u32 $0x40, s1  }
0x5: {  	s13 =	simm.s32 $0x0;
	s12 =	simm.s32 $0x0;
	s4 =	sor.u32 s4, s5  }
0x6: {  	s1 =	rddreg [dreg:$0x2];
	_ =	strace $0x80000050;
	s8 =	ssub.s32 $0x1000, s4  }
.Ltmp0:
0x7: {  	s5 =	sadd.s32 $0x200, s3;
	s7 =	sand.u32 $0x7C0, s8;
	(pc) =	sbr.rel .LBB2_1-.Ltmp0, $4  }
0x8: {  	[sflag:s6] =	ssyncpa.u1 $0x0;
	s11 =	smov.u32 s4;
	p0 =	sne.s32 s7, $0x0  }
0x9: {  	s8 =	sshrl.u32 s8, $0xB;
	s7 =	simm.s32 $0x2;
	s9 =	simm.s32 @!p0 $0x0  }
0xa: {  	[sflag:s7] =	ssyncpa.u1 $0x0;
	p0 =	por $0x0, $0x0;
	s8 =	sadd.s32 s9, s8  }
0xb: {  	vm0 =	vmmov $0xffff;
	[sflag:s10] =	ssyncpa.u1 $0x0;
	s10 =	simm.s32 $0x0;
	s9 =	sadd.s32 $0x1, s8  }
.LBB2_4:
0xc: {  	v2 =	vnsel vm1, $0x0, v2  }
0xd: {  	vm1 =	vgt.s32 v0, $0x0;
	v2 =	vmin.u32 v2, $0xC34F  }
0xe: {  	v0 =	vnsel vm1, $0x0, v0  }
0xf: {  	v0 =	vmin.u32 v0, $0xC34F  }
0x10: {  	[tilespmem:s15], [sflag:$0x1] =	stream.indirect_vreg.gather [hbm4b:s2+s10], $0x1, v1, vm0, $0x4038;
	[tilespmem:$0x100] =	vst v63  }
0x11: {  	(ifvalue) =	ssetifvalue $0x7FFFFFFF  }
0x12: {  	[tilespmem:s16], [sflag:$0x1] =	stream.indirect_vreg.gather [hbm4b:s2+s10], $0x1, v2, vm0, $0x4038;
	[tilespmem:$0x100] =	vst v63  }
0x13: {  	s29 =	sadd.s32 $0x10, s16;
	(ifvalue) =	ssetifvalue $0x7FFFFFFF  }
0x14: {  	[tilespmem:s29], [sflag:$0x1] =	stream.indirect_vreg.gather [hbm4b:s2+s10], $0x1, v0, vm0, $0x4038;
	[tilespmem:$0x100] =	vst v63  }
0x15: {  	_ =	swait.ge [sflag:s6], $0x40  }
0x16: {  	s30 =	sshrl.u32 s13, $0x3;
	[sflag:s6] =	ssyncset.done $0x0  }
0x17: {  	s31 =	sand.u32 $0x7, s13;
	s15 =	sadd.s32 s5, s30;
	[sflag:s6] =	ssyncadd.s32 $0xFFFFFFC0  }
0x18: {  	[hbm4b:s15+s31] =	stream.linear.scatter [tilespmem:s14], [sflag:$0x3], $0x40, $0x38;
	[tilespmem:$0x100] =	vst v63  }
.LBB2_5:
0x19: {  	s15 =	sadd.s32 $0x800, s11  }
0x1a: {  	p2 =	sgt.s32 s15, $0xFFF  }
0x1b: {  	s15 =	smov.u32 @p2 s4;
	p2 =	sne.s32 s12, s9  }
.Ltmp1:
0x1c: {  	p1 =	slt.u32 s12, $0x2;
	(pc) =	sbr.rel @!p2 .LBB2_6-.Ltmp1, $4  }
0x1d: {  	s14 =	simm.s32 @!p1 $0x3  }
0x1e: {  	s16 =	sadd.s32 $0x1, s12;
	_ =	swait.ge @!p1 [sflag:s14], $0x40  }
0x1f: {  	s13 =	smov.u32 s11;
	p0 =	por !p0, !p0;
	[sflag:s14] =	ssyncset.done @!p1 $0x0  }
0x20: {  	s12 =	smov.u32 s16;
	s11 =	smov.u32 s15;
	[sflag:s14] =	ssyncadd.s32 @!p1 $0xFFFFFFC0  }
.LBB2_1:
0x21: {  	p1 =	sge.u32 s12, s8  }
0x22: {  	s14 =	sxor.u32 @!p1 $0xFFFFFFFF, s12  }
0x23: {  	s31 =	sadd.s32 $0xFFFFFFFF, s12;
	s15 =	sshrl.u32 @!p1 s11, $0x3;
	s14 =	sshll.u32 @!p1 s14, $0x6  }
0x24: {  	s16 =	sand.u32 @!p1 $0x7, s11;
	s15 =	sadd.s32 @!p1 s3, s15;
	s14 =	sand.u32 @!p1 $0x40, s14  }
0x25: {  	[tilespmem:s14], [sflag:$0x2] =	stream.linear.gather @!p1 [hbm4b:s15+s16], $0x40, $0x38;
	[tilespmem:$0x100] =	vst v63  }
0x26: {  	p1 =	sge.u32 s31, s8  }
.Ltmp2:
0x27: {  	_ = 	snop;
	(pc) =	sbr.rel @p1 .LBB2_5-.Ltmp2, $1  }
0x28: {  	_ =	sdelay $0x3  }
0x29: {  	s14 =	simm.s32 $0x1  }
0x2a: {  	_ =	swait.ge [sflag:s7], $0x40;
	s14 =	simm.s32 @!p0 $0x0  }
0x2b: {  	[sflag:s7] =	ssyncset.done $0x0;
	s14 =	sshll.u32 s14, $0x6  }
0x2c: {  	[sflag:s7] =	ssyncadd.s32 $0xFFFFFFC0;
	(ifvalue) =	ssetifvalue $0x7FFFFFFF;
	v0 =	vld.msk [tilespmem:s14+$0x0 ss:$0x1], $0xffff;
	_ =	sdelay $0x4  }
0x2d: {  	s15 =	sadd.s32 $0x10, s14;
	vm1 =	vgt.s32 v0, $0x0  }
0x2e: {  	v2 =	vld.msk [tilespmem:s15+$0x0 ss:$0x1], $0xffff;
	v1 =	vnsel vm1, $0x0, v0  }
0x2f: {  	v1 =	vmin.u32 v1, $0xC34F;
	_ =	sdelay $0x1  }
0x30: {  	s16 =	sshll.u32 s12, $0x6;
	s18 =	simm.s32 $0x20  }
0x31: {  	s16 =	sand.u32 $0x40, s16;
	s17 =	sadd.s32 $0x10, s15;
	s15 =	sor.u32 $0x80, s14  }
0x32: {  	s14 =	sor.u32 $0x80, s16;
	s16 =	sadd.s32 $0x10, s15;
	v0 =	vld.msk [tilespmem:s17+$0x0 ss:$0x1], $0xffff;
	vm1 =	vgt.s32 v2, $0x0;
	(ifvalue) =	ssetifvalue $0x7FFFFFFF  }
.LBB2_3:
0x33: {  	[tilespmem:s15], [sflag:$0x1] =	stream.indirect_vreg.gather [hbm4b:s2+s10], $0x1, v1, vm0, $0x4038;
	[tilespmem:$0x100] =	vst v63  }
0x34: {  	s18 =	sadd.s32 $0x10, s18  }
0x35: {  	v2 =	vnsel vm1, $0x0, v2;
	p1 =	slt.u32 s18, $0x30  }
.Ltmp3:
0x36: {  	s15 =	smov.u32 s16;
	v1 =	vmin.u32 v2, $0xC34F;
	(pc) =	sbr.rel @p1 .LBB2_3-.Ltmp3, $3  }
0x37: {  	_ =	sdelay $0x1  }
0x38: {  	s17 =	sadd.s32 $0x10, s17  }
0x39: {  	vm1 =	vgt.s32 v0, $0x0;
	s16 =	sadd.s32 $0x10, s16;
	v2 =	vmov v0;
	(ifvalue) =	ssetifvalue $0x7FFFFFFF;
	v0 =	vld.msk [tilespmem:s17+$0x0 ss:$0x1], $0xffff  }
.Ltmp4:
0x3a: {  	_ = 	snop;
	(pc) =	sbr.rel .LBB2_4-.Ltmp4, $1  }
0x3b: {  	_ =	sdelay $0x3  }
.LBB2_6:
0x3c: {  	_ =	sfence.sel $0x180000  }
0x3d: {  	s2 =	simm.s32 $0x2;
	[bflag:$0x0] =	sbarrier.arrive $0xFFFF  }
0x3e: {  	s30 =	simm.s32 $0x3;
	[sflag:s2] =	ssyncpa.u1 $0x1  }
0x3f: {  	s31 =	simm.s32 $0x1;
	[sflag:s30] =	ssyncpa.u1 $0x1  }
0x40: {  	[sflag:s31] =	ssyncpa.u1 $0x1  }
0x41: {  	p0 =	sne.s32 s0, $0x0;
	_ =	strace $0x90000050  }
0x42: {  	s0 =	sadd.s32 @!p0 $0x100000, s1;
	[bflag:$0x2] =	sbarrier.arrive $0xFFFF  }
0x43: {  	[sflag:s0] =	ssyncadd.tile.s32 @!p0 $0x1;
	_ =	shalt  }
.Lfunc_end2:
_tile_overlayer_lowered:
.L_overlay_start_2:
0x44: {  	(tag) =	ssettag $0x2  }
0x45: {  	s0 =	rddreg [dreg:$0x0];
	s2 =	stileid.u32  }
0x46: {  	s1 =	rddreg [dreg:$0x1];
	p0 =	sne.s32 s2, $0x0  }
0x47: {  	s3 =	rddreg [dreg:$0x2];
	[bflag:$0x3] =	sbarrier.arrive $0xFFFF;
	s2 =	simm.s32 @!p0 $0x1C01  }
0x48: {  	[timem:s3], [sflag:s2] =	dma.local @!p0 [hbm:s0], s1  }
0x49: {  	s0 =	simm.s32 @!p0 $0x1  }
0x4a: {  	_ =	swait.ge @!p0 [sflag:s0], s1  }
0x4b: {  	s1 =	ssub.s32 @!p0 $0x0, s1;
	[sflag:s0] =	ssyncset.done @!p0 $0x0  }
0x4c: {  	[sflag:s0] =	ssyncadd.s32 @!p0 s1  }
0x4d: {  	[bflag:$0x3] =	sbarrier.arrive $0xFFFF  }
0x4e: {  	_ =	shalt  }

// kernel: gather_offload_async_start
scs
__scs_entry_jumppad:
0x0: {  	(pc) =	sbr.rel $0x88, $3  }
0x1: {  	(tag) =	ssettag $0x0;
	lr =	simm.s32 $0x1  }
0x2: {  	[smem:$0x3F88] =	sst lr;
	_ =	strace $0xD0000000  }
0x3: {  	_ = 	snop  }
0x4: {  	_ = 	snop  }
0x5: {  	_ = 	snop  }
0x6: {  	_ = 	snop  }
0x7: {  	_ = 	snop  }
__scs_overlays_trampoline_lowered:
0x8: {  	[smem:$0x3F97] =	sst s0  }
0x9: {  	[smem:$0x3F98] =	sst s1  }
0xa: {  	[smem:$0x3F99] =	sst s2  }
0xb: {  	[smem:$0x3F9A] =	sst s3  }
0xc: {  	[smem:$0x3F9B] =	sst s4  }
0xd: {  	[smem:$0x3F9C] =	sst s5  }
0xe: {  	[smem:$0x3F9D] =	sst s6  }
0xf: {  	[smem:$0x3F9E] =	sst s7  }
0x10: {  	[smem:$0x3F9F] =	sst s8  }
0x11: {  	[smem:$0x3FA0] =	sst s9;
	s0 =	simm.s32 @!p0 $0x0  }
0x12: {  	s1 =	sld [smem:$0x3F86];
	s0 =	simm.s32 @p0 $0x1  }
0x13: {  	[smem:$0x3FA1] =	sst s0;
	s0 =	simm.s32 @!p1 $0x0  }
0x14: {  	s2 =	sld [smem:$0x3F85];
	s0 =	simm.s32 @p1 $0x1  }
0x15: {  	[smem:$0x3FA2] =	sst s0;
	s0 =	simm.s32 @!p2 $0x0  }
0x16: {  	s3 =	sld [smem:$0x3FDB];
	s0 =	simm.s32 @p2 $0x1  }
0x17: {  	s4 =	simm.s32 $0x1BF5;
	[smem:$0x3FA4] =	sst s0  }
0x18: {  	s0 =	sld [smem:$0x3F87];
	_ =	swait.ge [sflag:s4], $0x0  }
0x19: {  	s7 =	sld [smem:$0x3F88]  }
0x1a: {  	s8 =	sadd.s32 $0xFFFFE003, lr  }
0x1b: {  	s9 =	sadd.s32 $0xFFFFFEF7, lr;
	s5 =	simm.s32 $0xFFFFFFFF;
	p2 =	slt.u32 s8, $0xFFFFF086  }
0x1c: {  	p1 =	slt.u32 s9, $0xF7A;
	s5 =	simm.s32 @!p2 $0x0  }
0x1d: {  	s5 =	simm.s32 @p1 $0x1;
	p0 =	seq.s32 s7, s2  }
0x1e: {  	s7 =	smul.u32 @!p0 $0xF7A, s2;
	p2 =	seq.s32 @!p0 s5, $0x0  }
0x1f: {  	s9 =	smul.u32 $0xF7A, s1;
	s8 =	simm.s32 @!p0 $0x1BF5;
	p2 =	por !p2, p0  }
0x20: {  	[sflag:s8] =	ssyncset.s32 @!p0 $0xFFFFF086;
	s6 =	sadd.s32 @!p0 s3, s7;
	s7 =	simm.s32 @!p0 $0x108  }
0x21: {  	s3 =	sadd.s32 s3, s9;
	s6 =	sadd.s32 @!p0 $0x88, s6;
	s7 =	simm.s32 @p2 $0x1082  }
0x22: {  	[simem:s7], [sflag:s8] =	dma.local @!p0 [hbm:s6], $0xF7A  }
0x23: {  	s9 =	sor.u32 $0xD0000000, s2;
	s6 =	simm.s32 $0x108;
	_ =	swait.ge @!p0 [sflag:s8], $0x0  }
0x24: {  	s3 =	sadd.s32 $0x88, s3;
	s6 =	simm.s32 @!p1 $0x1082;
	[sflag:s4] =	ssyncset.s32 $0xFFFFF086  }
0x25: {  	[simem:s6], [sflag:s4] =	dma.local [hbm:s3], $0xF7A  }
0x26: {  	[smem:$0x3F88] =	sst s1;
	(tag) =	ssettag s2;
	_ =	strace s9  }
0x27: {  	s1 =	sld [smem:$0x3F98]  }
0x28: {  	s2 =	sld [smem:$0x3F99]  }
0x29: {  	s4 =	sld [smem:$0x3F9B]  }
0x2a: {  	p0 =	seq.s32 s5, $0x0;
	s5 =	sld [smem:$0x3F9C]  }
0x2b: {  	s6 =	sld [smem:$0x3F9D]  }
0x2c: {  	s7 =	sld [smem:$0x3F9E]  }
0x2d: {  	s3 =	simm.s32 $0x108;
	s8 =	sld [smem:$0x3F9F]  }
0x2e: {  	s3 =	simm.s32 @!p0 $0x1082;
	s9 =	sld [smem:$0x3FA0]  }
0x2f: {  	lr =	sadd.s32 s0, s3;
	s0 =	sld [smem:$0x3F97]  }
0x30: {  	s3 =	sld [smem:$0x3F9A]  }
0x31: {  	[smem:$0x3FA3] =	sst s10  }
0x32: {  	s10 =	sld [smem:$0x3FA1];
	_ =	sdelay $0x3  }
0x33: {  	p0 =	seq.s32 s10, $0x1;
	s10 =	sld [smem:$0x3FA3];
	_ =	sdelay $0x3  }
0x34: {  	[smem:$0x3FA3] =	sst s10  }
0x35: {  	s10 =	sld [smem:$0x3FA2];
	_ =	sdelay $0x3  }
0x36: {  	p1 =	seq.s32 s10, $0x1;
	s10 =	sld [smem:$0x3FA3];
	_ =	sdelay $0x3  }
0x37: {  	[smem:$0x3FA3] =	sst s10  }
0x38: {  	s10 =	sld [smem:$0x3FA4]  }
0x39: {  	_ = 	snop;
	(pc) =	sbr.ind lr, $3  }
0x3a: {  	_ = 	snop  }
0x3b: {  	_ = 	snop  }
0x3c: {  	p2 =	seq.s32 s10, $0x1;
	s10 =	sld [smem:$0x3FA3]  }
0x3d: {  	_ =	shalt  }
0x3e: {  	_ =	shalt  }
0x3f: {  	_ =	shalt  }
0x40: {  	_ =	shalt  }
0x41: {  	_ =	shalt  }
0x42: {  	_ =	shalt  }
0x43: {  	_ =	shalt  }
0x44: {  	_ =	shalt  }
0x45: {  	_ =	shalt  }
0x46: {  	_ =	shalt  }
0x47: {  	_ =	shalt  }
0x48: {  	_ =	shalt  }
0x49: {  	_ =	shalt  }
0x4a: {  	_ =	shalt  }
0x4b: {  	_ =	shalt  }
0x4c: {  	_ =	shalt  }
0x4d: {  	_ =	shalt  }
0x4e: {  	_ =	shalt  }
0x4f: {  	_ =	shalt  }
0x50: {  	_ =	shalt  }
0x51: {  	_ =	shalt  }
0x52: {  	_ =	shalt  }
0x53: {  	_ =	shalt  }
0x54: {  	_ =	shalt  }
0x55: {  	_ =	shalt  }
0x56: {  	_ =	shalt  }
0x57: {  	_ =	shalt  }
0x58: {  	_ =	shalt  }
0x59: {  	_ =	shalt  }
0x5a: {  	_ =	shalt  }
0x5b: {  	_ =	shalt  }
0x5c: {  	_ =	shalt  }
0x5d: {  	_ =	shalt  }
0x5e: {  	_ =	shalt  }
0x5f: {  	_ =	shalt  }
0x60: {  	_ =	shalt  }
0x61: {  	_ =	shalt  }
0x62: {  	_ =	shalt  }
0x63: {  	_ =	shalt  }
0x64: {  	_ =	shalt  }
0x65: {  	_ =	shalt  }
0x66: {  	_ =	shalt  }
0x67: {  	_ =	shalt  }
0x68: {  	_ =	shalt  }
0x69: {  	_ =	shalt  }
0x6a: {  	_ =	shalt  }
0x6b: {  	_ =	shalt  }
0x6c: {  	_ =	shalt  }
0x6d: {  	_ =	shalt  }
0x6e: {  	_ =	shalt  }
0x6f: {  	_ =	shalt  }
0x70: {  	_ =	shalt  }
0x71: {  	_ =	shalt  }
0x72: {  	_ =	shalt  }
0x73: {  	_ =	shalt  }
0x74: {  	_ =	shalt  }
0x75: {  	_ =	shalt  }
0x76: {  	_ =	shalt  }
0x77: {  	_ =	shalt  }
0x78: {  	_ =	shalt  }
0x79: {  	_ =	shalt  }
0x7a: {  	_ =	shalt  }
0x7b: {  	_ =	shalt  }
0x7c: {  	_ =	shalt  }
0x7d: {  	_ =	shalt  }
0x7e: {  	_ =	shalt  }
0x7f: {  	_ =	shalt  }
0x80: {  	_ =	shalt  }
0x81: {  	_ =	shalt  }
0x82: {  	_ =	shalt  }
0x83: {  	_ =	shalt  }
0x84: {  	_ =	shalt  }
0x85: {  	_ =	shalt  }
0x86: {  	_ =	shalt  }
0x87: {  	_ =	shalt  }
.Lfunc_end0:
.L_simem_size_0:
called_computation.1_lowered:
.L_overlay_start_0:
0x88: {  	s2 =	sld [smem:$0x3FD9]  }
0x89: {  	s3 =	sld [smem:$0x3FFE];
	_ =	sdelay $0x1  }
0x8a: {  	s1 =	srdreg.scid  }
0x8b: {  	s0 =	sand.u32 $0x1, s1  }
0x8c: {  	s14 =	sshll.u32 s0, $0xA;
	s2 =	sadd.s32 s3, s2  }
0x8d: {  	s2 =	sadd.s32 s2, s14  }
0x8e: {  	[smem:$0x3FAF] =	sst s2  }
0x8f: {  	_ = 	snop  }
0x90: {  	s2 =	sld [smem:$0x3FD0];
	_ =	sdelay $0x2  }
0x91: {  	s15 =	simm.s32 $0xB;
	s4 =	simm.s32 $0x10  }
0x92: {  	[smem:s4], [sflag:s15] =	dma.local [hbm:s2], $0x1  }
0x93: {  	_ =	swait.eq [sflag:s15], $0x1  }
0x94: {  	[sflag:s15] =	ssyncset.done $0x0  }
0x95: {  	[sflag:s15] =	ssyncadd.s32 $0xFFFFFFFF  }
0x96: {  	s16 =	sld [smem:$0x13];
	(tm) =	ssettm $0x1  }
0x97: {  	s17 =	sld [smem:$0x3FFB];
	_ =	sdelay $0x3  }
0x98: {  	_ =	strace s17  }
0x99: {  	s3 =	sld [smem:$0x3FFC];
	_ =	sdelay $0x3  }
0x9a: {  	_ =	strace s3  }
0x9b: {  	s3 =	sld [smem:$0x3FFD];
	_ =	sdelay $0x3  }
0x9c: {  	_ =	strace s3  }
0x9d: {  	_ =	strace $0x8FFFFFFF  }
0x9e: {  	s18 =	sld [smem:$0x3FDB];
	_ =	sdelay $0x1  }
0x9f: {  	s19 =	simm.s32 $_scs_section_size  }
0xa0: {  	s5 =	simm.s32 $_size__tile_overlayer_lowered;
	s6 =	simm.s32 $_tile_overlayer_lowered  }
0xa1: {  	s22 =	simm.s32 $0x1BFF;
	s21 =	sshll.u32 s6, $0x1;
	s3 =	sadd.s32 s19, s18  }
0xa2: {  	s7 =	simm.s32 $0x0;
	s20 =	sshll.u32 s5, $0x1;
	s5 =	sadd.s32 s21, s3  }
0xa3: {  	[timem:s7], [sflag:s22] =	dma.local [hbm:s5], s20  }
0xa4: {  	_ =	swait.ge [sflag:s22], s20  }
0xa5: {  	s4 =	ssub.s32 $0x0, s20;
	[sflag:s22] =	ssyncset.done $0x0  }
0xa6: {  	[sflag:s22] =	ssyncadd.s32 s4;
	_ =	sdelay $0x1  }
0xa7: {  	s23 =	simm.s32 $0x1B8B  }
0xa8: {  	_ =	swait.ge [sflag:s23], $0x1  }
0xa9: {  	[sflag:s23] =	ssyncset.done $0x0  }
0xaa: {  	s25 =	simm.s32 $0x1B8E;
	s24 =	sld [smem:$0x3FFE];
	[sflag:s23] =	ssyncadd.s32 $0xFFFFFFFF  }
0xab: {  	s26 =	simm.s32 $execute0_lowered;
	[smem:$0x3FD2] =	sst s25  }
0xac: {  	s5 =	sshll.u32 s26, $0x1;
	_ =	strace $0x8000004C;
	[dreg:$0x1] =	wrdreg $0xFFFFFFFF  }
0xad: {  	s28 =	simm.s32 $_size_execute0_lowered;
	s3 =	sadd.s32 s3, s5;
	[dreg:$0x0] =	wrdreg $0x0  }
0xae: {  	s5 =	sshll.u32 s28, $0x1;
	[dreg:$0x2] =	wrdreg s3  }
0xaf: {  	[dreg:$0x3] =	wrdreg s5  }
0xb0: {  	[dreg:$0x4] =	wrdreg $0xC0  }
0xb1: {  	_ =	task [dreg:s7], $0x5FFFF  }
0xb2: {  	[dreg:$0x1] =	wrdreg $0xFFFFFFFF  }
0xb3: {  	[dreg:$0x0] =	wrdreg $0x60  }
0xb4: {  	[dreg:$0x2] =	wrdreg s24  }
0xb5: {  	[dreg:$0x3] =	wrdreg s16  }
0xb6: {  	[dreg:$0x4] =	wrdreg $0x9  }
0xb7: {  	_ =	task.clear_ibuf [dreg:s7], $0x5FFFF;
	_ =	strace $0x9000004C  }
0xb8: {  	s29 =	simm.s32 $0x9;
	_ =	strace $0x8000004E  }
0xb9: {  	_ =	swait.ge [sflag:s29], $0x1  }
0xba: {  	[sflag:s29] =	ssyncadd.s32 $0xFFFFFFFF  }
0xbb: {  	_ =	strace $0x9000004E  }
0xbc: {  	_ =	sfence  }
0xbd: {  	s30 =	sld [smem:$0x0];
	_ =	sdelay $0x2  }
0xbe: {  	s31 =	sshll.u32 s1, $0xD;
	s1 =	sshrl.u32 s1, $0x2  }
0xbf: {  	s3 =	sand.u32 $0x4000, s31;
	s1 =	sadd.s32 s1, s30  }
0xc0: {  	s0 =	sor.u32 s3, s0;
	s1 =	sshll.u32 s1, $0x11  }
0xc1: {  	s0 =	sor.u32 s1, s0  }
0xc2: {  	s0 =	sadd.s32 $0x8F2B, s0  }
0xc3: {  	[sflag:s0] =	ssyncadd.remote.s32 $0x1  }
0xc4: {  	_ =	sfence.sel $0xFFFF  }
0xc5: {  	[dreg:$0x0] =	wrdreg $0xFFFFFFFF;
	(pc) =	sbr.abs _section_cstart, $3  }
0xc6: {  	[dreg:$0x1] =	wrdreg $0xFFFFFFFF  }
0xc7: {  	_ =	task.clear_ibuf [dreg:s7], $0x2FFFF;
	_ =	strace $0x9FFFFFFF  }
0xc8: {  	(tm) =	ssettm $0x7FFFFFFF  }
0xc9: {  	_ =	shalt  }
tec
execute0_lowered:
.L_overlay_start_1:
0x0: {  	(tag) =	ssettag $0x1  }
0x1: {  	s1 =	srdreg.scid;
	s2 =	rddreg [dreg:$0x0]  }
0x2: {  	s0 =	stileid.u32;
	s3 =	rddreg [dreg:$0x1]  }
0x3: {  	s6 =	simm.s32 $0x1;
	s9 =	simm.s32 $0x1;
	s1 =	sshll.u32 s1, $0x6  }
0x4: {  	s10 =	simm.s32 $0x3;
	s4 =	sshll.u32 s0, $0x7;
	s5 =	sand.u32 $0x40, s1  }
0x5: {  	s13 =	simm.s32 $0x0;
	s12 =	simm.s32 $0x0;
	s4 =	sor.u32 s4, s5  }
0x6: {  	s1 =	rddreg [dreg:$0x2];
	_ =	strace $0x8000004D;
	s8 =	ssub.s32 $0x1000, s4  }
.Ltmp0:
0x7: {  	s5 =	sadd.s32 $0x1A00, s2;
	s7 =	sand.u32 $0x7C0, s8;
	(pc) =	sbr.rel .LBB2_1-.Ltmp0, $4  }
0x8: {  	[sflag:s6] =	ssyncpa.u1 $0x0;
	s11 =	smov.u32 s4;
	p0 =	sne.s32 s7, $0x0  }
0x9: {  	s8 =	sshrl.u32 s8, $0xB;
	s7 =	simm.s32 $0x2;
	s9 =	simm.s32 @!p0 $0x0  }
0xa: {  	[sflag:s7] =	ssyncpa.u1 $0x0;
	p0 =	por $0x0, $0x0;
	s8 =	sadd.s32 s9, s8  }
0xb: {  	vm0 =	vmmov $0xffff;
	[sflag:s10] =	ssyncpa.u1 $0x0;
	s10 =	simm.s32 $0x0;
	s9 =	sadd.s32 $0x1, s8  }
.LBB2_4:
0xc: {  	v2 =	vnsel vm1, $0x0, v2  }
0xd: {  	vm1 =	vgt.s32 v0, $0x0;
	v2 =	vmin.u32 v2, $0xC34F  }
0xe: {  	v0 =	vnsel vm1, $0x0, v0  }
0xf: {  	v0 =	vmin.u32 v0, $0xC34F  }
0x10: {  	[tilespmem:s15], [sflag:$0x1] =	stream.indirect_vreg.gather [hbm4b:s5+s10], $0x1, v1, vm0, $0x4038;
	[tilespmem:$0x100] =	vst v63  }
0x11: {  	(ifvalue) =	ssetifvalue $0x7FFFFFFF  }
0x12: {  	[tilespmem:s16], [sflag:$0x1] =	stream.indirect_vreg.gather [hbm4b:s5+s10], $0x1, v2, vm0, $0x4038;
	[tilespmem:$0x100] =	vst v63  }
0x13: {  	s29 =	sadd.s32 $0x10, s16;
	(ifvalue) =	ssetifvalue $0x7FFFFFFF  }
0x14: {  	[tilespmem:s29], [sflag:$0x1] =	stream.indirect_vreg.gather [hbm4b:s5+s10], $0x1, v0, vm0, $0x4038;
	[tilespmem:$0x100] =	vst v63  }
0x15: {  	_ =	swait.ge [sflag:s6], $0x40  }
0x16: {  	s30 =	sshrl.u32 s13, $0x3;
	[sflag:s6] =	ssyncset.done $0x0  }
0x17: {  	s31 =	sand.u32 $0x7, s13;
	s15 =	sadd.s32 s2, s30;
	[sflag:s6] =	ssyncadd.s32 $0xFFFFFFC0  }
0x18: {  	[hbm4b:s15+s31] =	stream.linear.scatter [tilespmem:s14], [sflag:$0x3], $0x40, $0x38;
	[tilespmem:$0x100] =	vst v63  }
.LBB2_5:
0x19: {  	s15 =	sadd.s32 $0x800, s11  }
0x1a: {  	p2 =	sgt.s32 s15, $0xFFF  }
0x1b: {  	s15 =	smov.u32 @p2 s4;
	p2 =	sne.s32 s12, s9  }
.Ltmp1:
0x1c: {  	p1 =	slt.u32 s12, $0x2;
	(pc) =	sbr.rel @!p2 .LBB2_6-.Ltmp1, $4  }
0x1d: {  	s14 =	simm.s32 @!p1 $0x3  }
0x1e: {  	s16 =	sadd.s32 $0x1, s12;
	_ =	swait.ge @!p1 [sflag:s14], $0x40  }
0x1f: {  	s13 =	smov.u32 s11;
	p0 =	por !p0, !p0;
	[sflag:s14] =	ssyncset.done @!p1 $0x0  }
0x20: {  	s12 =	smov.u32 s16;
	s11 =	smov.u32 s15;
	[sflag:s14] =	ssyncadd.s32 @!p1 $0xFFFFFFC0  }
.LBB2_1:
0x21: {  	p1 =	sge.u32 s12, s8  }
0x22: {  	s14 =	sxor.u32 @!p1 $0xFFFFFFFF, s12  }
0x23: {  	s31 =	sadd.s32 $0xFFFFFFFF, s12;
	s15 =	sshrl.u32 @!p1 s11, $0x3;
	s14 =	sshll.u32 @!p1 s14, $0x6  }
0x24: {  	s16 =	sand.u32 @!p1 $0x7, s11;
	s15 =	sadd.s32 @!p1 s3, s15;
	s14 =	sand.u32 @!p1 $0x40, s14  }
0x25: {  	[tilespmem:s14], [sflag:$0x2] =	stream.linear.gather @!p1 [hbm4b:s15+s16], $0x40, $0x38;
	[tilespmem:$0x100] =	vst v63  }
0x26: {  	p1 =	sge.u32 s31, s8  }
.Ltmp2:
0x27: {  	_ = 	snop;
	(pc) =	sbr.rel @p1 .LBB2_5-.Ltmp2, $1  }
0x28: {  	_ =	sdelay $0x3  }
0x29: {  	s14 =	simm.s32 $0x1  }
0x2a: {  	_ =	swait.ge [sflag:s7], $0x40;
	s14 =	simm.s32 @!p0 $0x0  }
0x2b: {  	[sflag:s7] =	ssyncset.done $0x0;
	s14 =	sshll.u32 s14, $0x6  }
0x2c: {  	[sflag:s7] =	ssyncadd.s32 $0xFFFFFFC0;
	(ifvalue) =	ssetifvalue $0x7FFFFFFF;
	v0 =	vld.msk [tilespmem:s14+$0x0 ss:$0x1], $0xffff;
	_ =	sdelay $0x4  }
0x2d: {  	s15 =	sadd.s32 $0x10, s14;
	vm1 =	vgt.s32 v0, $0x0  }
0x2e: {  	v2 =	vld.msk [tilespmem:s15+$0x0 ss:$0x1], $0xffff;
	v1 =	vnsel vm1, $0x0, v0  }
0x2f: {  	v1 =	vmin.u32 v1, $0xC34F;
	_ =	sdelay $0x1  }
0x30: {  	s16 =	sshll.u32 s12, $0x6;
	s18 =	simm.s32 $0x20  }
0x31: {  	s16 =	sand.u32 $0x40, s16;
	s17 =	sadd.s32 $0x10, s15;
	s15 =	sor.u32 $0x80, s14  }
0x32: {  	s14 =	sor.u32 $0x80, s16;
	s16 =	sadd.s32 $0x10, s15;
	v0 =	vld.msk [tilespmem:s17+$0x0 ss:$0x1], $0xffff;
	vm1 =	vgt.s32 v2, $0x0;
	(ifvalue) =	ssetifvalue $0x7FFFFFFF  }
.LBB2_3:
0x33: {  	[tilespmem:s15], [sflag:$0x1] =	stream.indirect_vreg.gather [hbm4b:s5+s10], $0x1, v1, vm0, $0x4038;
	[tilespmem:$0x100] =	vst v63  }
0x34: {  	s18 =	sadd.s32 $0x10, s18  }
0x35: {  	v2 =	vnsel vm1, $0x0, v2;
	p1 =	slt.u32 s18, $0x30  }
.Ltmp3:
0x36: {  	s15 =	smov.u32 s16;
	v1 =	vmin.u32 v2, $0xC34F;
	(pc) =	sbr.rel @p1 .LBB2_3-.Ltmp3, $3  }
0x37: {  	_ =	sdelay $0x1  }
0x38: {  	s17 =	sadd.s32 $0x10, s17  }
0x39: {  	vm1 =	vgt.s32 v0, $0x0;
	s16 =	sadd.s32 $0x10, s16;
	v2 =	vmov v0;
	(ifvalue) =	ssetifvalue $0x7FFFFFFF;
	v0 =	vld.msk [tilespmem:s17+$0x0 ss:$0x1], $0xffff  }
.Ltmp4:
0x3a: {  	_ = 	snop;
	(pc) =	sbr.rel .LBB2_4-.Ltmp4, $1  }
0x3b: {  	_ =	sdelay $0x3  }
.LBB2_6:
0x3c: {  	_ =	sfence.sel $0x180000  }
0x3d: {  	s2 =	simm.s32 $0x2;
	[bflag:$0x0] =	sbarrier.arrive $0xFFFF  }
0x3e: {  	s30 =	simm.s32 $0x3;
	[sflag:s2] =	ssyncpa.u1 $0x1  }
0x3f: {  	s31 =	simm.s32 $0x1;
	[sflag:s30] =	ssyncpa.u1 $0x1  }
0x40: {  	[sflag:s31] =	ssyncpa.u1 $0x1  }
0x41: {  	p0 =	sne.s32 s0, $0x0;
	_ =	strace $0x9000004D  }
0x42: {  	s0 =	sadd.s32 @!p0 $0x100000, s1;
	[bflag:$0x2] =	sbarrier.arrive $0xFFFF  }
0x43: {  	[sflag:s0] =	ssyncadd.tile.s32 @!p0 $0x1;
	_ =	shalt  }
.Lfunc_end2:
_tile_overlayer_lowered:
.L_overlay_start_2:
0x44: {  	(tag) =	ssettag $0x2  }
0x45: {  	s0 =	rddreg [dreg:$0x0];
	s2 =	stileid.u32  }
0x46: {  	s1 =	rddreg [dreg:$0x1];
	p0 =	sne.s32 s2, $0x0  }
0x47: {  	s3 =	rddreg [dreg:$0x2];
	[bflag:$0x3] =	sbarrier.arrive $0xFFFF;
	s2 =	simm.s32 @!p0 $0x1C01  }
0x48: {  	[timem:s3], [sflag:s2] =	dma.local @!p0 [hbm:s0], s1  }
0x49: {  	s0 =	simm.s32 @!p0 $0x1  }
0x4a: {  	_ =	swait.ge @!p0 [sflag:s0], s1  }
0x4b: {  	s1 =	ssub.s32 @!p0 $0x0, s1;
	[sflag:s0] =	ssyncset.done @!p0 $0x0  }
0x4c: {  	[sflag:s0] =	ssyncadd.s32 @!p0 s1  }
0x4d: {  	[bflag:$0x3] =	sbarrier.arrive $0xFFFF  }
0x4e: {  	_ =	shalt  }

// kernel: kernel.6.cloned.1.call-start
scs
__scs_entry_jumppad:
0x0: {  	(pc) =	sbr.rel $0x88, $3  }
0x1: {  	(tag) =	ssettag $0x0;
	lr =	simm.s32 $0x1  }
0x2: {  	[smem:$0x3F88] =	sst lr;
	_ =	strace $0xD0000000  }
0x3: {  	_ = 	snop  }
0x4: {  	_ = 	snop  }
0x5: {  	_ = 	snop  }
0x6: {  	_ = 	snop  }
0x7: {  	_ = 	snop  }
__scs_overlays_trampoline_lowered:
0x8: {  	[smem:$0x3F97] =	sst s0  }
0x9: {  	[smem:$0x3F98] =	sst s1  }
0xa: {  	[smem:$0x3F99] =	sst s2  }
0xb: {  	[smem:$0x3F9A] =	sst s3  }
0xc: {  	[smem:$0x3F9B] =	sst s4  }
0xd: {  	[smem:$0x3F9C] =	sst s5  }
0xe: {  	[smem:$0x3F9D] =	sst s6  }
0xf: {  	[smem:$0x3F9E] =	sst s7  }
0x10: {  	[smem:$0x3F9F] =	sst s8  }
0x11: {  	[smem:$0x3FA0] =	sst s9;
	s0 =	simm.s32 @!p0 $0x0  }
0x12: {  	s1 =	sld [smem:$0x3F86];
	s0 =	simm.s32 @p0 $0x1  }
0x13: {  	[smem:$0x3FA1] =	sst s0;
	s0 =	simm.s32 @!p1 $0x0  }
0x14: {  	s2 =	sld [smem:$0x3F85];
	s0 =	simm.s32 @p1 $0x1  }
0x15: {  	[smem:$0x3FA2] =	sst s0;
	s0 =	simm.s32 @!p2 $0x0  }
0x16: {  	s3 =	sld [smem:$0x3FDB];
	s0 =	simm.s32 @p2 $0x1  }
0x17: {  	s4 =	simm.s32 $0x1BF5;
	[smem:$0x3FA4] =	sst s0  }
0x18: {  	s0 =	sld [smem:$0x3F87];
	_ =	swait.ge [sflag:s4], $0x0  }
0x19: {  	s7 =	sld [smem:$0x3F88]  }
0x1a: {  	s8 =	sadd.s32 $0xFFFFE003, lr  }
0x1b: {  	s9 =	sadd.s32 $0xFFFFFEF7, lr;
	s5 =	simm.s32 $0xFFFFFFFF;
	p2 =	slt.u32 s8, $0xFFFFF086  }
0x1c: {  	p1 =	slt.u32 s9, $0xF7A;
	s5 =	simm.s32 @!p2 $0x0  }
0x1d: {  	s5 =	simm.s32 @p1 $0x1;
	p0 =	seq.s32 s7, s2  }
0x1e: {  	s7 =	smul.u32 @!p0 $0xF7A, s2;
	p2 =	seq.s32 @!p0 s5, $0x0  }
0x1f: {  	s9 =	smul.u32 $0xF7A, s1;
	s8 =	simm.s32 @!p0 $0x1BF5;
	p2 =	por !p2, p0  }
0x20: {  	[sflag:s8] =	ssyncset.s32 @!p0 $0xFFFFF086;
	s6 =	sadd.s32 @!p0 s3, s7;
	s7 =	simm.s32 @!p0 $0x108  }
0x21: {  	s3 =	sadd.s32 s3, s9;
	s6 =	sadd.s32 @!p0 $0x88, s6;
	s7 =	simm.s32 @p2 $0x1082  }
0x22: {  	[simem:s7], [sflag:s8] =	dma.local @!p0 [hbm:s6], $0xF7A  }
0x23: {  	s9 =	sor.u32 $0xD0000000, s2;
	s6 =	simm.s32 $0x108;
	_ =	swait.ge @!p0 [sflag:s8], $0x0  }
0x24: {  	s3 =	sadd.s32 $0x88, s3;
	s6 =	simm.s32 @!p1 $0x1082;
	[sflag:s4] =	ssyncset.s32 $0xFFFFF086  }
0x25: {  	[simem:s6], [sflag:s4] =	dma.local [hbm:s3], $0xF7A  }
0x26: {  	[smem:$0x3F88] =	sst s1;
	(tag) =	ssettag s2;
	_ =	strace s9  }
0x27: {  	s1 =	sld [smem:$0x3F98]  }
0x28: {  	s2 =	sld [smem:$0x3F99]  }
0x29: {  	s4 =	sld [smem:$0x3F9B]  }
0x2a: {  	p0 =	seq.s32 s5, $0x0;
	s5 =	sld [smem:$0x3F9C]  }
0x2b: {  	s6 =	sld [smem:$0x3F9D]  }
0x2c: {  	s7 =	sld [smem:$0x3F9E]  }
0x2d: {  	s3 =	simm.s32 $0x108;
	s8 =	sld [smem:$0x3F9F]  }
0x2e: {  	s3 =	simm.s32 @!p0 $0x1082;
	s9 =	sld [smem:$0x3FA0]  }
0x2f: {  	lr =	sadd.s32 s0, s3;
	s0 =	sld [smem:$0x3F97]  }
0x30: {  	s3 =	sld [smem:$0x3F9A]  }
0x31: {  	[smem:$0x3FA3] =	sst s10  }
0x32: {  	s10 =	sld [smem:$0x3FA1];
	_ =	sdelay $0x3  }
0x33: {  	p0 =	seq.s32 s10, $0x1;
	s10 =	sld [smem:$0x3FA3];
	_ =	sdelay $0x3  }
0x34: {  	[smem:$0x3FA3] =	sst s10  }
0x35: {  	s10 =	sld [smem:$0x3FA2];
	_ =	sdelay $0x3  }
0x36: {  	p1 =	seq.s32 s10, $0x1;
	s10 =	sld [smem:$0x3FA3];
	_ =	sdelay $0x3  }
0x37: {  	[smem:$0x3FA3] =	sst s10  }
0x38: {  	s10 =	sld [smem:$0x3FA4]  }
0x39: {  	_ = 	snop;
	(pc) =	sbr.ind lr, $3  }
0x3a: {  	_ = 	snop  }
0x3b: {  	_ = 	snop  }
0x3c: {  	p2 =	seq.s32 s10, $0x1;
	s10 =	sld [smem:$0x3FA3]  }
0x3d: {  	_ =	shalt  }
0x3e: {  	_ =	shalt  }
0x3f: {  	_ =	shalt  }
0x40: {  	_ =	shalt  }
0x41: {  	_ =	shalt  }
0x42: {  	_ =	shalt  }
0x43: {  	_ =	shalt  }
0x44: {  	_ =	shalt  }
0x45: {  	_ =	shalt  }
0x46: {  	_ =	shalt  }
0x47: {  	_ =	shalt  }
0x48: {  	_ =	shalt  }
0x49: {  	_ =	shalt  }
0x4a: {  	_ =	shalt  }
0x4b: {  	_ =	shalt  }
0x4c: {  	_ =	shalt  }
0x4d: {  	_ =	shalt  }
0x4e: {  	_ =	shalt  }
0x4f: {  	_ =	shalt  }
0x50: {  	_ =	shalt  }
0x51: {  	_ =	shalt  }
0x52: {  	_ =	shalt  }
0x53: {  	_ =	shalt  }
0x54: {  	_ =	shalt  }
0x55: {  	_ =	shalt  }
0x56: {  	_ =	shalt  }
0x57: {  	_ =	shalt  }
0x58: {  	_ =	shalt  }
0x59: {  	_ =	shalt  }
0x5a: {  	_ =	shalt  }
0x5b: {  	_ =	shalt  }
0x5c: {  	_ =	shalt  }
0x5d: {  	_ =	shalt  }
0x5e: {  	_ =	shalt  }
0x5f: {  	_ =	shalt  }
0x60: {  	_ =	shalt  }
0x61: {  	_ =	shalt  }
0x62: {  	_ =	shalt  }
0x63: {  	_ =	shalt  }
0x64: {  	_ =	shalt  }
0x65: {  	_ =	shalt  }
0x66: {  	_ =	shalt  }
0x67: {  	_ =	shalt  }
0x68: {  	_ =	shalt  }
0x69: {  	_ =	shalt  }
0x6a: {  	_ =	shalt  }
0x6b: {  	_ =	shalt  }
0x6c: {  	_ =	shalt  }
0x6d: {  	_ =	shalt  }
0x6e: {  	_ =	shalt  }
0x6f: {  	_ =	shalt  }
0x70: {  	_ =	shalt  }
0x71: {  	_ =	shalt  }
0x72: {  	_ =	shalt  }
0x73: {  	_ =	shalt  }
0x74: {  	_ =	shalt  }
0x75: {  	_ =	shalt  }
0x76: {  	_ =	shalt  }
0x77: {  	_ =	shalt  }
0x78: {  	_ =	shalt  }
0x79: {  	_ =	shalt  }
0x7a: {  	_ =	shalt  }
0x7b: {  	_ =	shalt  }
0x7c: {  	_ =	shalt  }
0x7d: {  	_ =	shalt  }
0x7e: {  	_ =	shalt  }
0x7f: {  	_ =	shalt  }
0x80: {  	_ =	shalt  }
0x81: {  	_ =	shalt  }
0x82: {  	_ =	shalt  }
0x83: {  	_ =	shalt  }
0x84: {  	_ =	shalt  }
0x85: {  	_ =	shalt  }
0x86: {  	_ =	shalt  }
0x87: {  	_ =	shalt  }
.Lfunc_end0:
.L_simem_size_0:
called_computation.4_lowered:
.L_overlay_start_0:
0x88: {  	s2 =	sld [smem:$0x3FD9]  }
0x89: {  	s3 =	sld [smem:$0x3FFE];
	_ =	sdelay $0x1  }
0x8a: {  	s1 =	srdreg.scid  }
0x8b: {  	s0 =	sand.u32 $0x1, s1  }
0x8c: {  	s17 =	sshll.u32 s0, $0xA;
	s2 =	sadd.s32 s3, s2  }
0x8d: {  	s2 =	sadd.s32 s2, s17  }
0x8e: {  	[smem:$0x3FAF] =	sst s2  }
0x8f: {  	_ = 	snop  }
0x90: {  	(tm) =	ssettm $0x1  }
0x91: {  	s18 =	sld [smem:$0x3FFB];
	_ =	sdelay $0x3  }
0x92: {  	_ =	strace s18  }
0x93: {  	s2 =	sld [smem:$0x3FFC];
	_ =	sdelay $0x3  }
0x94: {  	_ =	strace s2  }
0x95: {  	s2 =	sld [smem:$0x3FFD];
	_ =	sdelay $0x3  }
0x96: {  	_ =	strace s2  }
0x97: {  	_ =	strace $0x8FFFFFFF  }
0x98: {  	s19 =	sld [smem:$0x3FDB];
	_ =	sdelay $0x1  }
0x99: {  	s20 =	simm.s32 $_scs_section_size  }
0x9a: {  	s4 =	simm.s32 $_size__tile_overlayer_lowered;
	s5 =	simm.s32 $_tile_overlayer_lowered  }
0x9b: {  	s6 =	simm.s32 $0x1BFF;
	s21 =	sshll.u32 s5, $0x1;
	s3 =	sadd.s32 s20, s19  }
0x9c: {  	s22 =	simm.s32 $0x0;
	s4 =	sshll.u32 s4, $0x1;
	s5 =	sadd.s32 s21, s3  }
0x9d: {  	[timem:s22], [sflag:s6] =	dma.local [hbm:s5], s4  }
0x9e: {  	_ =	swait.ge [sflag:s6], s4  }
0x9f: {  	s4 =	ssub.s32 $0x0, s4;
	[sflag:s6] =	ssyncset.done $0x0  }
0xa0: {  	[sflag:s6] =	ssyncadd.s32 s4;
	_ =	sdelay $0x1  }
0xa1: {  	s23 =	simm.s32 $0x1B8B  }
0xa2: {  	_ =	swait.ge [sflag:s23], $0x1  }
0xa3: {  	[sflag:s23] =	ssyncset.done $0x0  }
0xa4: {  	[sflag:s23] =	ssyncadd.s32 $0xFFFFFFFF  }
0xa5: {  	s4 =	sld [smem:$0x0]  }
0xa6: {  	s5 =	sand.u32 $0xFFFFFFFE, s1  }
0xa7: {  	p0 =	sne.s32 s1, s5  }
0xa8: {  	s5 =	sshll.u32 @p0 s5, $0xE  }
0xa9: {  	s5 =	sadd.s32 @p0 $0x11B8D, s5;
	s6 =	sshll.u32 @p0 s4, $0x11  }
0xaa: {  	s5 =	sor.u32 @p0 s6, s5  }
0xab: {  	[sflag:s5] =	ssyncadd.remote.s32 @p0 $0x1;
	_ =	sdelay $0x1  }
0xac: {  	s5 =	simm.s32 @p0 $0x1B8D  }
0xad: {  	_ =	swait.eq @p0 [sflag:s5], $0x1  }
0xae: {  	[sflag:s5] =	ssyncadd.s32 @p0 $0xFFFFFFFF  }
0xaf: {  	s6 =	sshll.u32 @!p0 s1, $0xE  }
0xb0: {  	s6 =	sor.u32 @!p0 $0x4000, s6;
	s5 =	simm.s32 @!p0 $0x1B8D  }
0xb1: {  	s4 =	sshll.u32 @!p0 s4, $0x11;
	s6 =	sadd.s32 @!p0 $0x11B8D, s6;
	_ =	swait.eq @!p0 [sflag:s5], $0x1  }
0xb2: {  	s4 =	sor.u32 @!p0 s4, s6;
	[sflag:s5] =	ssyncadd.s32 @!p0 $0xFFFFFFFF  }
0xb3: {  	s25 =	simm.s32 $0x1B8E;
	s24 =	sld [smem:$0x3FFE];
	[sflag:s4] =	ssyncadd.remote.s32 @!p0 $0x1  }
0xb4: {  	s26 =	simm.s32 $execute0_lowered;
	[smem:$0x3FD2] =	sst s25  }
0xb5: {  	s5 =	sshll.u32 s26, $0x1;
	_ =	strace $0x80000049;
	[dreg:$0x1] =	wrdreg $0xFFFFFFFF  }
0xb6: {  	s28 =	simm.s32 $_size_execute0_lowered;
	s3 =	sadd.s32 s3, s5;
	[dreg:$0x0] =	wrdreg $0x0  }
0xb7: {  	s5 =	sshll.u32 s28, $0x1;
	[dreg:$0x2] =	wrdreg s3  }
0xb8: {  	[dreg:$0x3] =	wrdreg s5  }
0xb9: {  	[dreg:$0x4] =	wrdreg $0xC0  }
0xba: {  	_ =	task [dreg:s22], $0x5FFFF  }
0xbb: {  	[dreg:$0x1] =	wrdreg $0xFFFFFFFF  }
0xbc: {  	[dreg:$0x0] =	wrdreg $0x60  }
0xbd: {  	[dreg:$0x2] =	wrdreg s24  }
0xbe: {  	[dreg:$0x3] =	wrdreg $0xC3500  }
0xbf: {  	[dreg:$0x4] =	wrdreg $0xA  }
0xc0: {  	_ =	task.clear_ibuf [dreg:s22], $0x5FFFF;
	_ =	strace $0x90000049  }
0xc1: {  	s29 =	simm.s32 $0xA;
	_ =	strace $0x8000004B  }
0xc2: {  	_ =	swait.ge [sflag:s29], $0x1  }
0xc3: {  	[sflag:s29] =	ssyncadd.s32 $0xFFFFFFFF  }
0xc4: {  	_ =	strace $0x9000004B  }
0xc5: {  	_ =	sfence  }
0xc6: {  	s30 =	sld [smem:$0x0];
	_ =	sdelay $0x2  }
0xc7: {  	s31 =	sshll.u32 s1, $0xD;
	s1 =	sshrl.u32 s1, $0x2  }
0xc8: {  	s4 =	sand.u32 $0x4000, s31;
	s1 =	sadd.s32 s1, s30  }
0xc9: {  	s0 =	sor.u32 s4, s0;
	s1 =	sshll.u32 s1, $0x11  }
0xca: {  	s0 =	sor.u32 s1, s0  }
0xcb: {  	s0 =	sadd.s32 $0x8F2B, s0  }
0xcc: {  	[sflag:s0] =	ssyncadd.remote.s32 $0x1  }
0xcd: {  	_ =	sfence.sel $0xFFFF  }
0xce: {  	[dreg:$0x0] =	wrdreg $0xFFFFFFFF;
	(pc) =	sbr.abs _section_cstart, $3  }
0xcf: {  	[dreg:$0x1] =	wrdreg $0xFFFFFFFF  }
0xd0: {  	_ =	task.clear_ibuf [dreg:s22], $0x2FFFF;
	_ =	strace $0x9FFFFFFF  }
0xd1: {  	(tm) =	ssettm $0x7FFFFFFF  }
tec
execute0_lowered:
.L_overlay_start_1:
0x0: {  	(tag) =	ssettag $0x1  }
0x1: {  	s21 =	rddreg [dreg:$0x0]  }
0x2: {  	s0 =	stileid.u32;
	s2 =	rddreg [dreg:$0x1]  }
0x3: {  	s1 =	rddreg [dreg:$0x2];
	s3 =	simm.s32 $0x0;
	s5 =	srdreg.scid  }
0x4: {  	s22 =	smul.u32 $0x6200, s0;
	[smem:$0x7FF] =	sst s3  }
0x5: {  	s23 =	sand.u32 $0x1, s5;
	s28 =	sshll.u32 s0, $0x6;
	s7 =	sshll.u32 s0, $0x1  }
0x6: {  	_ =	strace $0x8000004A;
	s5 =	sor.u32 $0x1C01, s28;
	s4 =	sshrl.u32 s22, $0x3  }
0x7: {  	s8 =	sor.u32 s23, s7;
	s6 =	sadd.s32 s22, s2;
	s4 =	sadd.s32 s4, s21  }
0x8: {  	s7 =	sshrl.u32 s6, $0x3;
	s6 =	simm.s32 $0x1;
	s4 =	sadd.s32 $0xF9400, s4  }
0x9: {  	[spmem:s7], [sflag:s5] =	dma.local [hbm:s4], $0xC40  }
0xa: {  	s17 =	smul.u32 $0x61A8, s8;
	_ =	swait.ge [sflag:s6], $0xC40  }
0xb: {  	[sflag:s6] =	ssyncset.done $0x0  }
0xc: {  	s19 =	sadd.s32 $0xDD800, s21;
	s20 =	sshrl.u32 s17, $0x3;
	[sflag:s6] =	ssyncadd.s32 $0xFFFFF3C0  }
0xd: {  	s8 =	sadd.s32 s19, s20;
	[bflag:$0x0] =	sbarrier.arrive $0xFFFF  }
0xe: {  	[tilespmem:s3], [sflag:$0x1] =	stream.linear.gather [hbm4b:s8+s3], $0x1388, $0x38;
	[tilespmem:$0x12550] =	vst v63  }
0xf: {  	_ =	swait.ge [sflag:s6], $0x1388  }
0x10: {  	[sflag:s6] =	ssyncset.done $0x0  }
0x11: {  	s10 =	simm.s32 $0x1388;
	s9 =	sadd.s32 $0x189000, s21;
	[sflag:s6] =	ssyncadd.s32 $0xFFFFEC78  }
0x12: {  	[tilespmem:s10], [sflag:$0x1] =	stream.indirect.gather [hbm4b:s9+s10], $0x8, s3, s10, $0xb8;
	[tilespmem:$0x12550] =	vst v63  }
0x13: {  	_ =	swait.ge [sflag:s6], $0x9C40  }
0x14: {  	s24 =	sadd.s32 $0xC5000, s21;
	[sflag:s6] =	ssyncset.done $0x0  }
0x15: {  	s12 =	simm.s32 $0xAFC8;
	s11 =	sadd.s32 s24, s20;
	[sflag:s6] =	ssyncadd.s32 $0xFFFF63C0  }
0x16: {  	[tilespmem:s12], [sflag:$0x1] =	stream.linear.gather [hbm4b:s11+s3], $0x1388, $0x38;
	[tilespmem:$0x12550] =	vst v63  }
0x17: {  	_ =	swait.ge [sflag:s6], $0x1388  }
0x18: {  	[sflag:s6] =	ssyncset.done $0x0  }
0x19: {  	[sflag:s6] =	ssyncadd.s32 $0xFFFFEC78  }
0x1a: {  	[spmem:s2] =	stream.indirect.scatter.add.f32 [tilespmem:s10], [sflag:$0x1], $0x8, s12, s10, $0xb8;
	[tilespmem:$0x12550] =	vst v63  }
0x1b: {  	s13 =	sadd.s32 $0x1388, s17;
	_ =	swait.ge [sflag:s6], $0x9C40  }
0x1c: {  	s14 =	sshrl.u32 s13, $0x3;
	[sflag:s6] =	ssyncset.done $0x0  }
0x1d: {  	s13 =	sadd.s32 s19, s14;
	[sflag:s6] =	ssyncadd.s32 $0xFFFF63C0  }
0x1e: {  	[tilespmem:s3], [sflag:$0x1] =	stream.linear.gather [hbm4b:s13+s3], $0x1388, $0x38;
	[tilespmem:$0x12550] =	vst v63  }
0x1f: {  	_ =	swait.ge [sflag:s6], $0x1388  }
0x20: {  	[sflag:s6] =	ssyncset.done $0x0  }
0x21: {  	[sflag:s6] =	ssyncadd.s32 $0xFFFFEC78  }
0x22: {  	[tilespmem:s10], [sflag:$0x1] =	stream.indirect.gather [hbm4b:s9+s10], $0x8, s3, s10, $0xb8;
	[tilespmem:$0x12550] =	vst v63  }
0x23: {  	_ =	swait.ge [sflag:s6], $0x9C40  }
0x24: {  	[sflag:s6] =	ssyncset.done $0x0  }
0x25: {  	s14 =	sadd.s32 s24, s14;
	[sflag:s6] =	ssyncadd.s32 $0xFFFF63C0  }
0x26: {  	[tilespmem:s12], [sflag:$0x1] =	stream.linear.gather [hbm4b:s14+s3], $0x1388, $0x38;
	[tilespmem:$0x12550] =	vst v63  }
0x27: {  	_ =	swait.ge [sflag:s6], $0x1388  }
0x28: {  	[sflag:s6] =	ssyncset.done $0x0  }
0x29: {  	[sflag:s6] =	ssyncadd.s32 $0xFFFFEC78  }
0x2a: {  	[spmem:s2] =	stream.indirect.scatter.add.f32 [tilespmem:s10], [sflag:$0x1], $0x8, s12, s10, $0xb8;
	[tilespmem:$0x12550] =	vst v63  }
0x2b: {  	_ =	swait.ge [sflag:s6], $0x9C40  }
0x2c: {  	s16 =	sadd.s32 $0x4E2, s20;
	[sflag:s6] =	ssyncset.done $0x0  }
0x2d: {  	s15 =	sadd.s32 s19, s16;
	[sflag:s6] =	ssyncadd.s32 $0xFFFF63C0  }
0x2e: {  	[tilespmem:s3], [sflag:$0x1] =	stream.linear.gather [hbm4b:s15+s3], $0x1388, $0x38;
	[tilespmem:$0x12550] =	vst v63  }
0x2f: {  	_ =	swait.ge [sflag:s6], $0x1388  }
0x30: {  	[sflag:s6] =	ssyncset.done $0x0  }
0x31: {  	[sflag:s6] =	ssyncadd.s32 $0xFFFFEC78  }
0x32: {  	[tilespmem:s10], [sflag:$0x1] =	stream.indirect.gather [hbm4b:s9+s10], $0x8, s3, s10, $0xb8;
	[tilespmem:$0x12550] =	vst v63  }
0x33: {  	_ =	swait.ge [sflag:s6], $0x9C40  }
0x34: {  	[sflag:s6] =	ssyncset.done $0x0  }
0x35: {  	s16 =	sadd.s32 s24, s16;
	[sflag:s6] =	ssyncadd.s32 $0xFFFF63C0  }
0x36: {  	[tilespmem:s12], [sflag:$0x1] =	stream.linear.gather [hbm4b:s16+s3], $0x1388, $0x38;
	[tilespmem:$0x12550] =	vst v63  }
0x37: {  	_ =	swait.ge [sflag:s6], $0x1388  }
0x38: {  	[sflag:s6] =	ssyncset.done $0x0  }
0x39: {  	[sflag:s6] =	ssyncadd.s32 $0xFFFFEC78  }
0x3a: {  	[spmem:s2] =	stream.indirect.scatter.add.f32 [tilespmem:s10], [sflag:$0x1], $0x8, s12, s10, $0xb8;
	[tilespmem:$0x12550] =	vst v63  }
0x3b: {  	s17 =	sadd.s32 $0x3A98, s17;
	_ =	swait.ge [sflag:s6], $0x9C40  }
0x3c: {  	s18 =	sshrl.u32 s17, $0x3;
	[sflag:s6] =	ssyncset.done $0x0  }
0x3d: {  	s17 =	sadd.s32 s19, s18;
	[sflag:s6] =	ssyncadd.s32 $0xFFFF63C0  }
0x3e: {  	[tilespmem:s3], [sflag:$0x1] =	stream.linear.gather [hbm4b:s17+s3], $0x1388, $0x38;
	[tilespmem:$0x12550] =	vst v63  }
0x3f: {  	_ =	swait.ge [sflag:s6], $0x1388  }
0x40: {  	[sflag:s6] =	ssyncset.done $0x0  }
0x41: {  	[sflag:s6] =	ssyncadd.s32 $0xFFFFEC78  }
0x42: {  	[tilespmem:s10], [sflag:$0x1] =	stream.indirect.gather [hbm4b:s9+s10], $0x8, s3, s10, $0xb8;
	[tilespmem:$0x12550] =	vst v63  }
0x43: {  	_ =	swait.ge [sflag:s6], $0x9C40  }
0x44: {  	[sflag:s6] =	ssyncset.done $0x0  }
0x45: {  	s18 =	sadd.s32 s24, s18;
	[sflag:s6] =	ssyncadd.s32 $0xFFFF63C0  }
0x46: {  	[tilespmem:s12], [sflag:$0x1] =	stream.linear.gather [hbm4b:s18+s3], $0x1388, $0x38;
	[tilespmem:$0x12550] =	vst v63  }
0x47: {  	_ =	swait.ge [sflag:s6], $0x1388  }
0x48: {  	[sflag:s6] =	ssyncset.done $0x0  }
0x49: {  	[sflag:s6] =	ssyncadd.s32 $0xFFFFEC78  }
0x4a: {  	[spmem:s2] =	stream.indirect.scatter.add.f32 [tilespmem:s10], [sflag:$0x1], $0x8, s12, s10, $0xb8;
	[tilespmem:$0x12550] =	vst v63  }
0x4b: {  	_ =	swait.ge [sflag:s6], $0x9C40  }
0x4c: {  	s20 =	sadd.s32 $0x9C4, s20;
	[sflag:s6] =	ssyncset.done $0x0  }
0x4d: {  	s19 =	sadd.s32 s19, s20;
	[sflag:s6] =	ssyncadd.s32 $0xFFFF63C0  }
0x4e: {  	[tilespmem:s3], [sflag:$0x1] =	stream.linear.gather [hbm4b:s19+s3], $0x1388, $0x38;
	[tilespmem:$0x12550] =	vst v63  }
0x4f: {  	_ =	swait.ge [sflag:s6], $0x1388  }
0x50: {  	[sflag:s6] =	ssyncset.done $0x0  }
0x51: {  	[sflag:s6] =	ssyncadd.s32 $0xFFFFEC78  }
0x52: {  	[tilespmem:s10], [sflag:$0x1] =	stream.indirect.gather [hbm4b:s9+s10], $0x8, s3, s10, $0xb8;
	[tilespmem:$0x12550] =	vst v63  }
0x53: {  	_ =	swait.ge [sflag:s6], $0x9C40  }
0x54: {  	[sflag:s6] =	ssyncset.done $0x0  }
0x55: {  	s29 =	smul.u32 $0x62000, s23;
	s20 =	sadd.s32 s24, s20;
	[sflag:s6] =	ssyncadd.s32 $0xFFFF63C0  }
0x56: {  	[tilespmem:s12], [sflag:$0x1] =	stream.linear.gather [hbm4b:s20+s3], $0x1388, $0x38;
	[tilespmem:$0x12550] =	vst v63  }
0x57: {  	s23 =	ssub.s32 $0x2, s23;
	_ =	swait.ge [sflag:s6], $0x1388  }
0x58: {  	s30 =	sshrl.u32 s23, $0x1;
	s22 =	sadd.s32 s22, s29;
	[sflag:s6] =	ssyncset.done $0x0  }
0x59: {  	s31 =	ssub.s32 s23, s30;
	s22 =	sshrl.u32 s22, $0x3;
	[sflag:s6] =	ssyncadd.s32 $0xFFFFEC78  }
0x5a: {  	[spmem:s2] =	stream.indirect.scatter.add.f32 [tilespmem:s10], [sflag:$0x1], $0x8, s12, s10, $0xb8;
	[tilespmem:$0x12550] =	vst v63  }
0x5b: {  	s21 =	sadd.s32 s22, s21;
	s22 =	smax.u32 s31, $0x1;
	_ =	swait.ge [sflag:s6], $0x9C40  }
0x5c: {  	p0 =	sne.s32 s22, $0x1;
	[sflag:s6] =	ssyncset.done $0x0  }
.Ltmp0:
0x5d: {  	[sflag:s6] =	ssyncadd.s32 $0xFFFF63C0;
	(pc) =	sbr.rel @!p0 .LBB2_2-.Ltmp0, $4  }
0x5e: {  	s21 =	sadd.s32 $0x105800, s21;
	[bflag:$0x0] =	sbarrier.arrive $0xFFFF  }
0x5f: {  	[hbm:s21], [sflag:s5] =	dma.local [spmem:s7], $0xC40  }
0x60: {  	_ =	swait.ge [sflag:s6], $0xC40  }
0x61: {  	s22 =	sadd.s32 $0xFFFFFFFF, s22;
	[sflag:s6] =	ssyncset.done $0x0  }
.LBB2_1:
0x62: {  	p0 =	sne.s32 s22, $0x1;
	s22 =	sadd.s32 $0xFFFFFFFF, s22;
	[sflag:s6] =	ssyncadd.s32 $0xFFFFF3C0  }
0x63: {  	[spmem:s7], [sflag:s5] =	dma.local [hbm:s4], $0xC40  }
0x64: {  	_ =	swait.ge [sflag:s6], $0xC40  }
0x65: {  	[sflag:s6] =	ssyncset.done $0x0  }
0x66: {  	[sflag:s6] =	ssyncadd.s32 $0xFFFFF3C0  }
0x67: {  	[bflag:$0x0] =	sbarrier.arrive $0xFFFF  }
0x68: {  	[tilespmem:s3], [sflag:$0x1] =	stream.linear.gather [hbm4b:s8+s3], $0x1388, $0x38;
	[tilespmem:$0x12550] =	vst v63  }
0x69: {  	_ =	swait.ge [sflag:s6], $0x1388  }
0x6a: {  	[sflag:s6] =	ssyncset.done $0x0  }
0x6b: {  	[sflag:s6] =	ssyncadd.s32 $0xFFFFEC78  }
0x6c: {  	[tilespmem:s10], [sflag:$0x1] =	stream.indirect.gather [hbm4b:s9+s10], $0x8, s3, s10, $0xb8;
	[tilespmem:$0x12550] =	vst v63  }
0x6d: {  	_ =	swait.ge [sflag:s6], $0x9C40  }
0x6e: {  	[sflag:s6] =	ssyncset.done $0x0  }
0x6f: {  	[sflag:s6] =	ssyncadd.s32 $0xFFFF63C0  }
0x70: {  	[tilespmem:s12], [sflag:$0x1] =	stream.linear.gather [hbm4b:s11+s3], $0x1388, $0x38;
	[tilespmem:$0x12550] =	vst v63  }
0x71: {  	_ =	swait.ge [sflag:s6], $0x1388  }
0x72: {  	[sflag:s6] =	ssyncset.done $0x0  }
0x73: {  	[sflag:s6] =	ssyncadd.s32 $0xFFFFEC78  }
0x74: {  	[spmem:s2] =	stream.indirect.scatter.add.f32 [tilespmem:s10], [sflag:$0x1], $0x8, s12, s10, $0xb8;
	[tilespmem:$0x12550] =	vst v63  }
0x75: {  	_ =	swait.ge [sflag:s6], $0x9C40  }
0x76: {  	[sflag:s6] =	ssyncset.done $0x0  }
0x77: {  	[sflag:s6] =	ssyncadd.s32 $0xFFFF63C0  }
0x78: {  	[tilespmem:s3], [sflag:$0x1] =	stream.linear.gather [hbm4b:s13+s3], $0x1388, $0x38;
	[tilespmem:$0x12550] =	vst v63  }
0x79: {  	_ =	swait.ge [sflag:s6], $0x1388  }
0x7a: {  	[sflag:s6] =	ssyncset.done $0x0  }
0x7b: {  	[sflag:s6] =	ssyncadd.s32 $0xFFFFEC78  }
0x7c: {  	[tilespmem:s10], [sflag:$0x1] =	stream.indirect.gather [hbm4b:s9+s10], $0x8, s3, s10, $0xb8;
	[tilespmem:$0x12550] =	vst v63  }
0x7d: {  	_ =	swait.ge [sflag:s6], $0x9C40  }
0x7e: {  	[sflag:s6] =	ssyncset.done $0x0  }
0x7f: {  	[sflag:s6] =	ssyncadd.s32 $0xFFFF63C0  }
0x80: {  	[tilespmem:s12], [sflag:$0x1] =	stream.linear.gather [hbm4b:s14+s3], $0x1388, $0x38;
	[tilespmem:$0x12550] =	vst v63  }
0x81: {  	_ =	swait.ge [sflag:s6], $0x1388  }
0x82: {  	[sflag:s6] =	ssyncset.done $0x0  }
0x83: {  	[sflag:s6] =	ssyncadd.s32 $0xFFFFEC78  }
0x84: {  	[spmem:s2] =	stream.indirect.scatter.add.f32 [tilespmem:s10], [sflag:$0x1], $0x8, s12, s10, $0xb8;
	[tilespmem:$0x12550] =	vst v63  }
0x85: {  	_ =	swait.ge [sflag:s6], $0x9C40  }
0x86: {  	[sflag:s6] =	ssyncset.done $0x0  }
0x87: {  	[sflag:s6] =	ssyncadd.s32 $0xFFFF63C0  }
0x88: {  	[tilespmem:s3], [sflag:$0x1] =	stream.linear.gather [hbm4b:s15+s3], $0x1388, $0x38;
	[tilespmem:$0x12550] =	vst v63  }
0x89: {  	_ =	swait.ge [sflag:s6], $0x1388  }
0x8a: {  	[sflag:s6] =	ssyncset.done $0x0  }
0x8b: {  	[sflag:s6] =	ssyncadd.s32 $0xFFFFEC78  }
0x8c: {  	[tilespmem:s10], [sflag:$0x1] =	stream.indirect.gather [hbm4b:s9+s10], $0x8, s3, s10, $0xb8;
	[tilespmem:$0x12550] =	vst v63  }
0x8d: {  	_ =	swait.ge [sflag:s6], $0x9C40  }
0x8e: {  	[sflag:s6] =	ssyncset.done $0x0  }
0x8f: {  	[sflag:s6] =	ssyncadd.s32 $0xFFFF63C0  }
0x90: {  	[tilespmem:s12], [sflag:$0x1] =	stream.linear.gather [hbm4b:s16+s3], $0x1388, $0x38;
	[tilespmem:$0x12550] =	vst v63  }
0x91: {  	_ =	swait.ge [sflag:s6], $0x1388  }
0x92: {  	[sflag:s6] =	ssyncset.done $0x0  }
0x93: {  	[sflag:s6] =	ssyncadd.s32 $0xFFFFEC78  }
0x94: {  	[spmem:s2] =	stream.indirect.scatter.add.f32 [tilespmem:s10], [sflag:$0x1], $0x8, s12, s10, $0xb8;
	[tilespmem:$0x12550] =	vst v63  }
0x95: {  	_ =	swait.ge [sflag:s6], $0x9C40  }
0x96: {  	[sflag:s6] =	ssyncset.done $0x0  }
0x97: {  	[sflag:s6] =	ssyncadd.s32 $0xFFFF63C0  }
0x98: {  	[tilespmem:s3], [sflag:$0x1] =	stream.linear.gather [hbm4b:s17+s3], $0x1388, $0x38;
	[tilespmem:$0x12550] =	vst v63  }
0x99: {  	_ =	swait.ge [sflag:s6], $0x1388  }
0x9a: {  	[sflag:s6] =	ssyncset.done $0x0  }
0x9b: {  	[sflag:s6] =	ssyncadd.s32 $0xFFFFEC78  }
0x9c: {  	[tilespmem:s10], [sflag:$0x1] =	stream.indirect.gather [hbm4b:s9+s10], $0x8, s3, s10, $0xb8;
	[tilespmem:$0x12550] =	vst v63  }
0x9d: {  	_ =	swait.ge [sflag:s6], $0x9C40  }
0x9e: {  	[sflag:s6] =	ssyncset.done $0x0  }
0x9f: {  	[sflag:s6] =	ssyncadd.s32 $0xFFFF63C0  }
0xa0: {  	[tilespmem:s12], [sflag:$0x1] =	stream.linear.gather [hbm4b:s18+s3], $0x1388, $0x38;
	[tilespmem:$0x12550] =	vst v63  }
0xa1: {  	_ =	swait.ge [sflag:s6], $0x1388  }
0xa2: {  	[sflag:s6] =	ssyncset.done $0x0  }
0xa3: {  	[sflag:s6] =	ssyncadd.s32 $0xFFFFEC78  }
0xa4: {  	[spmem:s2] =	stream.indirect.scatter.add.f32 [tilespmem:s10], [sflag:$0x1], $0x8, s12, s10, $0xb8;
	[tilespmem:$0x12550] =	vst v63  }
0xa5: {  	_ =	swait.ge [sflag:s6], $0x9C40  }
0xa6: {  	[sflag:s6] =	ssyncset.done $0x0  }
0xa7: {  	[sflag:s6] =	ssyncadd.s32 $0xFFFF63C0  }
0xa8: {  	[tilespmem:s3], [sflag:$0x1] =	stream.linear.gather [hbm4b:s19+s3], $0x1388, $0x38;
	[tilespmem:$0x12550] =	vst v63  }
0xa9: {  	_ =	swait.ge [sflag:s6], $0x1388  }
0xaa: {  	[sflag:s6] =	ssyncset.done $0x0  }
0xab: {  	[sflag:s6] =	ssyncadd.s32 $0xFFFFEC78  }
0xac: {  	[tilespmem:s10], [sflag:$0x1] =	stream.indirect.gather [hbm4b:s9+s10], $0x8, s3, s10, $0xb8;
	[tilespmem:$0x12550] =	vst v63  }
0xad: {  	_ =	swait.ge [sflag:s6], $0x9C40  }
0xae: {  	[sflag:s6] =	ssyncset.done $0x0  }
0xaf: {  	[sflag:s6] =	ssyncadd.s32 $0xFFFF63C0  }
0xb0: {  	[tilespmem:s12], [sflag:$0x1] =	stream.linear.gather [hbm4b:s20+s3], $0x1388, $0x38;
	[tilespmem:$0x12550] =	vst v63  }
0xb1: {  	_ =	swait.ge [sflag:s6], $0x1388  }
0xb2: {  	[sflag:s6] =	ssyncset.done $0x0  }
0xb3: {  	[sflag:s6] =	ssyncadd.s32 $0xFFFFEC78  }
0xb4: {  	[spmem:s2] =	stream.indirect.scatter.add.f32 [tilespmem:s10], [sflag:$0x1], $0x8, s12, s10, $0xb8;
	[tilespmem:$0x12550] =	vst v63  }
0xb5: {  	_ =	swait.ge [sflag:s6], $0x9C40  }
0xb6: {  	[sflag:s6] =	ssyncset.done $0x0  }
.Ltmp1:
0xb7: {  	[sflag:s6] =	ssyncadd.s32 $0xFFFF63C0;
	(pc) =	sbr.rel @p0 .LBB2_1-.Ltmp1, $4  }
0xb8: {  	[bflag:$0x0] =	sbarrier.arrive $0xFFFF  }
0xb9: {  	[hbm:s21], [sflag:s5] =	dma.local [spmem:s7], $0xC40  }
0xba: {  	_ =	swait.ge [sflag:s6], $0xC40  }
0xbb: {  	[sflag:s6] =	ssyncset.done $0x0  }
.LBB2_2:
0xbc: {  	[sflag:s6] =	ssyncadd.s32 $0xFFFFF3C0  }
0xbd: {  	_ =	sfence.sel $0x180000  }
0xbe: {  	[bflag:$0x0] =	sbarrier.arrive $0xFFFF  }
0xbf: {  	p0 =	sne.s32 s0, $0x0;
	_ =	strace $0x9000004A  }
0xc0: {  	s0 =	sadd.s32 @!p0 $0x100000, s1;
	[bflag:$0x2] =	sbarrier.arrive $0xFFFF  }
0xc1: {  	[sflag:s0] =	ssyncadd.tile.s32 @!p0 $0x1;
	_ =	shalt  }
.Lfunc_end2:
_tile_overlayer_lowered:
.L_overlay_start_2:
0xc2: {  	(tag) =	ssettag $0x2  }
0xc3: {  	s0 =	rddreg [dreg:$0x0];
	s2 =	stileid.u32  }
0xc4: {  	s1 =	rddreg [dreg:$0x1];
	p0 =	sne.s32 s2, $0x0  }
0xc5: {  	s3 =	rddreg [dreg:$0x2];
	[bflag:$0x3] =	sbarrier.arrive $0xFFFF;
	s2 =	simm.s32 @!p0 $0x1C01  }
0xc6: {  	[timem:s3], [sflag:s2] =	dma.local @!p0 [hbm:s0], s1  }
0xc7: {  	s0 =	simm.s32 @!p0 $0x1  }
0xc8: {  	_ =	swait.ge @!p0 [sflag:s0], s1  }
0xc9: {  	s1 =	ssub.s32 @!p0 $0x0, s1;
	[sflag:s0] =	ssyncset.done @!p0 $0x0  }
0xca: {  	[sflag:s0] =	ssyncadd.s32 @!p0 s1  }
0xcb: {  	[bflag:$0x3] =	sbarrier.arrive $0xFFFF  }
0xcc: {  	_ =	shalt  }

// kernel: scatter_offload_async_start
scs
__scs_entry_jumppad:
0x0: {  	(pc) =	sbr.rel $0x88, $3  }
0x1: {  	(tag) =	ssettag $0x0;
	lr =	simm.s32 $0x1  }
0x2: {  	[smem:$0x3F88] =	sst lr;
	_ =	strace $0xD0000000  }
0x3: {  	_ = 	snop  }
0x4: {  	_ = 	snop  }
0x5: {  	_ = 	snop  }
0x6: {  	_ = 	snop  }
0x7: {  	_ = 	snop  }
__scs_overlays_trampoline_lowered:
0x8: {  	[smem:$0x3F97] =	sst s0  }
0x9: {  	[smem:$0x3F98] =	sst s1  }
0xa: {  	[smem:$0x3F99] =	sst s2  }
0xb: {  	[smem:$0x3F9A] =	sst s3  }
0xc: {  	[smem:$0x3F9B] =	sst s4  }
0xd: {  	[smem:$0x3F9C] =	sst s5  }
0xe: {  	[smem:$0x3F9D] =	sst s6  }
0xf: {  	[smem:$0x3F9E] =	sst s7  }
0x10: {  	[smem:$0x3F9F] =	sst s8  }
0x11: {  	[smem:$0x3FA0] =	sst s9;
	s0 =	simm.s32 @!p0 $0x0  }
0x12: {  	s1 =	sld [smem:$0x3F86];
	s0 =	simm.s32 @p0 $0x1  }
0x13: {  	[smem:$0x3FA1] =	sst s0;
	s0 =	simm.s32 @!p1 $0x0  }
0x14: {  	s2 =	sld [smem:$0x3F85];
	s0 =	simm.s32 @p1 $0x1  }
0x15: {  	[smem:$0x3FA2] =	sst s0;
	s0 =	simm.s32 @!p2 $0x0  }
0x16: {  	s3 =	sld [smem:$0x3FDB];
	s0 =	simm.s32 @p2 $0x1  }
0x17: {  	s4 =	simm.s32 $0x1BF5;
	[smem:$0x3FA4] =	sst s0  }
0x18: {  	s0 =	sld [smem:$0x3F87];
	_ =	swait.ge [sflag:s4], $0x0  }
0x19: {  	s7 =	sld [smem:$0x3F88]  }
0x1a: {  	s8 =	sadd.s32 $0xFFFFE003, lr  }
0x1b: {  	s9 =	sadd.s32 $0xFFFFFEF7, lr;
	s5 =	simm.s32 $0xFFFFFFFF;
	p2 =	slt.u32 s8, $0xFFFFF086  }
0x1c: {  	p1 =	slt.u32 s9, $0xF7A;
	s5 =	simm.s32 @!p2 $0x0  }
0x1d: {  	s5 =	simm.s32 @p1 $0x1;
	p0 =	seq.s32 s7, s2  }
0x1e: {  	s7 =	smul.u32 @!p0 $0xF7A, s2;
	p2 =	seq.s32 @!p0 s5, $0x0  }
0x1f: {  	s9 =	smul.u32 $0xF7A, s1;
	s8 =	simm.s32 @!p0 $0x1BF5;
	p2 =	por !p2, p0  }
0x20: {  	[sflag:s8] =	ssyncset.s32 @!p0 $0xFFFFF086;
	s6 =	sadd.s32 @!p0 s3, s7;
	s7 =	simm.s32 @!p0 $0x108  }
0x21: {  	s3 =	sadd.s32 s3, s9;
	s6 =	sadd.s32 @!p0 $0x88, s6;
	s7 =	simm.s32 @p2 $0x1082  }
0x22: {  	[simem:s7], [sflag:s8] =	dma.local @!p0 [hbm:s6], $0xF7A  }
0x23: {  	s9 =	sor.u32 $0xD0000000, s2;
	s6 =	simm.s32 $0x108;
	_ =	swait.ge @!p0 [sflag:s8], $0x0  }
0x24: {  	s3 =	sadd.s32 $0x88, s3;
	s6 =	simm.s32 @!p1 $0x1082;
	[sflag:s4] =	ssyncset.s32 $0xFFFFF086  }
0x25: {  	[simem:s6], [sflag:s4] =	dma.local [hbm:s3], $0xF7A  }
0x26: {  	[smem:$0x3F88] =	sst s1;
	(tag) =	ssettag s2;
	_ =	strace s9  }
0x27: {  	s1 =	sld [smem:$0x3F98]  }
0x28: {  	s2 =	sld [smem:$0x3F99]  }
0x29: {  	s4 =	sld [smem:$0x3F9B]  }
0x2a: {  	p0 =	seq.s32 s5, $0x0;
	s5 =	sld [smem:$0x3F9C]  }
0x2b: {  	s6 =	sld [smem:$0x3F9D]  }
0x2c: {  	s7 =	sld [smem:$0x3F9E]  }
0x2d: {  	s3 =	simm.s32 $0x108;
	s8 =	sld [smem:$0x3F9F]  }
0x2e: {  	s3 =	simm.s32 @!p0 $0x1082;
	s9 =	sld [smem:$0x3FA0]  }
0x2f: {  	lr =	sadd.s32 s0, s3;
	s0 =	sld [smem:$0x3F97]  }
0x30: {  	s3 =	sld [smem:$0x3F9A]  }
0x31: {  	[smem:$0x3FA3] =	sst s10  }
0x32: {  	s10 =	sld [smem:$0x3FA1];
	_ =	sdelay $0x3  }
0x33: {  	p0 =	seq.s32 s10, $0x1;
	s10 =	sld [smem:$0x3FA3];
	_ =	sdelay $0x3  }
0x34: {  	[smem:$0x3FA3] =	sst s10  }
0x35: {  	s10 =	sld [smem:$0x3FA2];
	_ =	sdelay $0x3  }
0x36: {  	p1 =	seq.s32 s10, $0x1;
	s10 =	sld [smem:$0x3FA3];
	_ =	sdelay $0x3  }
0x37: {  	[smem:$0x3FA3] =	sst s10  }
0x38: {  	s10 =	sld [smem:$0x3FA4]  }
0x39: {  	_ = 	snop;
	(pc) =	sbr.ind lr, $3  }
0x3a: {  	_ = 	snop  }
0x3b: {  	_ = 	snop  }
0x3c: {  	p2 =	seq.s32 s10, $0x1;
	s10 =	sld [smem:$0x3FA3]  }
0x3d: {  	_ =	shalt  }
0x3e: {  	_ =	shalt  }
0x3f: {  	_ =	shalt  }
0x40: {  	_ =	shalt  }
0x41: {  	_ =	shalt  }
0x42: {  	_ =	shalt  }
0x43: {  	_ =	shalt  }
0x44: {  	_ =	shalt  }
0x45: {  	_ =	shalt  }
0x46: {  	_ =	shalt  }
0x47: {  	_ =	shalt  }
0x48: {  	_ =	shalt  }
0x49: {  	_ =	shalt  }
0x4a: {  	_ =	shalt  }
0x4b: {  	_ =	shalt  }
0x4c: {  	_ =	shalt  }
0x4d: {  	_ =	shalt  }
0x4e: {  	_ =	shalt  }
0x4f: {  	_ =	shalt  }
0x50: {  	_ =	shalt  }
0x51: {  	_ =	shalt  }
0x52: {  	_ =	shalt  }
0x53: {  	_ =	shalt  }
0x54: {  	_ =	shalt  }
0x55: {  	_ =	shalt  }
0x56: {  	_ =	shalt  }
0x57: {  	_ =	shalt  }
0x58: {  	_ =	shalt  }
0x59: {  	_ =	shalt  }
0x5a: {  	_ =	shalt  }
0x5b: {  	_ =	shalt  }
0x5c: {  	_ =	shalt  }
0x5d: {  	_ =	shalt  }
0x5e: {  	_ =	shalt  }
0x5f: {  	_ =	shalt  }
0x60: {  	_ =	shalt  }
0x61: {  	_ =	shalt  }
0x62: {  	_ =	shalt  }
0x63: {  	_ =	shalt  }
0x64: {  	_ =	shalt  }
0x65: {  	_ =	shalt  }
0x66: {  	_ =	shalt  }
0x67: {  	_ =	shalt  }
0x68: {  	_ =	shalt  }
0x69: {  	_ =	shalt  }
0x6a: {  	_ =	shalt  }
0x6b: {  	_ =	shalt  }
0x6c: {  	_ =	shalt  }
0x6d: {  	_ =	shalt  }
0x6e: {  	_ =	shalt  }
0x6f: {  	_ =	shalt  }
0x70: {  	_ =	shalt  }
0x71: {  	_ =	shalt  }
0x72: {  	_ =	shalt  }
0x73: {  	_ =	shalt  }
0x74: {  	_ =	shalt  }
0x75: {  	_ =	shalt  }
0x76: {  	_ =	shalt  }
0x77: {  	_ =	shalt  }
0x78: {  	_ =	shalt  }
0x79: {  	_ =	shalt  }
0x7a: {  	_ =	shalt  }
0x7b: {  	_ =	shalt  }
0x7c: {  	_ =	shalt  }
0x7d: {  	_ =	shalt  }
0x7e: {  	_ =	shalt  }
0x7f: {  	_ =	shalt  }
0x80: {  	_ =	shalt  }
0x81: {  	_ =	shalt  }
0x82: {  	_ =	shalt  }
0x83: {  	_ =	shalt  }
0x84: {  	_ =	shalt  }
0x85: {  	_ =	shalt  }
0x86: {  	_ =	shalt  }
0x87: {  	_ =	shalt  }
.Lfunc_end0:
.L_simem_size_0:
called_computation_lowered:
.L_overlay_start_0:
0x88: {  	s0 =	sld [smem:$0x3FD9]  }
0x89: {  	s1 =	sld [smem:$0x3FFE];
	_ =	sdelay $0x3  }
0x8a: {  	s0 =	sadd.s32 s1, s0  }
0x8b: {  	[smem:$0x3FAF] =	sst s0  }
0x8c: {  	_ = 	snop  }
0x8d: {  	s0 =	sld [smem:$0x3FD0];
	_ =	sdelay $0x2  }
0x8e: {  	s13 =	simm.s32 $0xB;
	s2 =	simm.s32 $0x10  }
0x8f: {  	[smem:s2], [sflag:s13] =	dma.local [hbm:s0], $0x1  }
0x90: {  	_ =	swait.eq [sflag:s13], $0x1  }
0x91: {  	[sflag:s13] =	ssyncset.done $0x0  }
0x92: {  	s14 =	sld [smem:$0x11];
	[sflag:s13] =	ssyncadd.s32 $0xFFFFFFFF  }
0x93: {  	s15 =	sld [smem:$0x12];
	(tm) =	ssettm $0x1  }
0x94: {  	s16 =	sld [smem:$0x3FFB];
	_ =	sdelay $0x3  }
0x95: {  	_ =	strace s16  }
0x96: {  	s2 =	sld [smem:$0x3FFC];
	_ =	sdelay $0x3  }
0x97: {  	_ =	strace s2  }
0x98: {  	s2 =	sld [smem:$0x3FFD];
	_ =	sdelay $0x3  }
0x99: {  	_ =	strace s2  }
0x9a: {  	_ =	strace $0x8FFFFFFF  }
0x9b: {  	s17 =	sld [smem:$0x3FDB];
	_ =	sdelay $0x1  }
0x9c: {  	s3 =	simm.s32 $_scs_section_size  }
0x9d: {  	s4 =	simm.s32 $_size__tile_overlayer_lowered;
	s5 =	simm.s32 $_tile_overlayer_lowered  }
0x9e: {  	s20 =	simm.s32 $0x1BFF;
	s19 =	sshll.u32 s5, $0x1;
	s2 =	sadd.s32 s3, s17  }
0x9f: {  	s6 =	simm.s32 $0x0;
	s18 =	sshll.u32 s4, $0x1;
	s4 =	sadd.s32 s19, s2  }
0xa0: {  	[timem:s6], [sflag:s20] =	dma.local [hbm:s4], s18  }
0xa1: {  	_ =	swait.ge [sflag:s20], s18  }
0xa2: {  	s3 =	ssub.s32 $0x0, s18;
	[sflag:s20] =	ssyncset.done $0x0  }
0xa3: {  	[sflag:s20] =	ssyncadd.s32 s3;
	_ =	sdelay $0x1  }
0xa4: {  	s21 =	simm.s32 $0x1B8B  }
0xa5: {  	_ =	swait.ge [sflag:s21], $0x1  }
0xa6: {  	[sflag:s21] =	ssyncset.done $0x0  }
0xa7: {  	s23 =	simm.s32 $0x1B8E;
	s22 =	sld [smem:$0x3FFE];
	[sflag:s21] =	ssyncadd.s32 $0xFFFFFFFF  }
0xa8: {  	s24 =	simm.s32 $execute0_lowered;
	[smem:$0x3FD2] =	sst s23  }
0xa9: {  	s4 =	sshll.u32 s24, $0x1;
	_ =	strace $0x80000046;
	[dreg:$0x1] =	wrdreg $0xFFFFFFFF  }
0xaa: {  	s25 =	simm.s32 $_size_execute0_lowered;
	s2 =	sadd.s32 s2, s4;
	[dreg:$0x0] =	wrdreg $0x0  }
0xab: {  	s4 =	sshll.u32 s25, $0x1;
	[dreg:$0x2] =	wrdreg s2  }
0xac: {  	[dreg:$0x3] =	wrdreg s4  }
0xad: {  	[dreg:$0x4] =	wrdreg $0xC0  }
0xae: {  	_ =	task [dreg:s6], $0x5FFFF  }
0xaf: {  	[dreg:$0x1] =	wrdreg $0xFFFFFFFF  }
0xb0: {  	[dreg:$0x0] =	wrdreg $0x60  }
0xb1: {  	[dreg:$0x2] =	wrdreg s14  }
0xb2: {  	[dreg:$0x3] =	wrdreg s15  }
0xb3: {  	[dreg:$0x4] =	wrdreg s22  }
0xb4: {  	[dreg:$0x5] =	wrdreg $0x9  }
0xb5: {  	_ =	task.clear_ibuf [dreg:s6], $0x6FFFF;
	_ =	strace $0x90000046  }
0xb6: {  	s26 =	simm.s32 $0x9;
	_ =	strace $0x80000048  }
0xb7: {  	_ =	swait.ge [sflag:s26], $0x1  }
0xb8: {  	[sflag:s26] =	ssyncadd.s32 $0xFFFFFFFF  }
0xb9: {  	_ =	strace $0x90000048  }
0xba: {  	_ =	sfence  }
0xbb: {  	s28 =	sld [smem:$0x0];
	_ =	sdelay $0x1  }
0xbc: {  	s29 =	srdreg.scid  }
0xbd: {  	s30 =	sshll.u32 s29, $0xD;
	s31 =	sshrl.u32 s29, $0x2  }
0xbe: {  	s1 =	sand.u32 $0x1, s29;
	s2 =	sand.u32 $0x4000, s30;
	s0 =	sadd.s32 s31, s28  }
0xbf: {  	s1 =	sor.u32 s2, s1;
	s0 =	sshll.u32 s0, $0x11  }
0xc0: {  	s0 =	sor.u32 s0, s1  }
0xc1: {  	s0 =	sadd.s32 $0x8F2B, s0  }
0xc2: {  	[sflag:s0] =	ssyncadd.remote.s32 $0x1  }
0xc3: {  	_ =	sfence.sel $0xFFFF  }
0xc4: {  	[dreg:$0x0] =	wrdreg $0xFFFFFFFF;
	(pc) =	sbr.abs _section_cstart, $3  }
0xc5: {  	[dreg:$0x1] =	wrdreg $0xFFFFFFFF  }
0xc6: {  	_ =	task.clear_ibuf [dreg:s6], $0x2FFFF;
	_ =	strace $0x9FFFFFFF  }
0xc7: {  	(tm) =	ssettm $0x7FFFFFFF  }
tec
execute0_lowered:
.L_overlay_start_1:
0x0: {  	(tag) =	ssettag $0x1  }
0x1: {  	s1 =	rddreg [dreg:$0x0]  }
0x2: {  	s2 =	rddreg [dreg:$0x1]  }
0x3: {  	s7 =	rddreg [dreg:$0x2]  }
0x4: {  	s0 =	rddreg [dreg:$0x3]  }
0x5: {  	s4 =	stileid.u32;
	_ =	strace $0x80000047;
	s5 =	simm.s32 $0x3E  }
0x6: {  	p0 =	sne.s32 s4, $0x0;
	[sflag:s5] =	ssyncpa.u1 $0x0  }
0x7: {  	s30 =	smin.u32 s4, $0x9;
	s3 =	simm.s32 @!p0 $0x1C3E;
	s6 =	simm.s32 @!p0 $0x0  }
0x8: {  	[spmem:s6], [sflag:s3] =	dma.local @!p0 [hbm:s1], $0x40  }
0x9: {  	s3 =	sadd.s32 s4, s30  }
0xa: {  	p1 =	slt.u32 s4, $0x9;
	s4 =	simm.s32 $0xFA0;
	s3 =	smul.u32 $0x7D0, s3  }
0xb: {  	s4 =	simm.s32 @!p1 $0x7D0  }
0xc: {  	s4 =	sadd.s32 s4, s3  }
0xd: {  	s4 =	smin.u32 s4, $0xC350  }
0xe: {  	s8 =	ssub.s32 s4, s3  }
0xf: {  	p1 =	sgt.s32 s8, $0x0  }
0x10: {  	s8 =	simm.s32 @!p1 $0x0  }
0x11: {  	s9 =	sand.u32 $0xFFF0, s8  }
0x12: {  	s9 =	sshrl.u32 s9, $0x4  }
0x13: {  	s6 =	simm.s32 @!p0 $0x3E;
	s31 =	smul.u32 $0x1063, s9  }
0x14: {  	_ =	swait.ge @!p0 [sflag:s6], $0x40  }
0x15: {  	[sflag:s6] =	ssyncset.done @!p0 $0x0;
	s9 =	sshrl.u32 s31, $0x13  }
0x16: {  	s11 =	simm.s32 $0x0;
	[sflag:s6] =	ssyncadd.s32 @!p0 $0xFFFFFFC0;
	s10 =	smul.u32 $0x7D0, s9  }
.Ltmp0:
0x17: {  	s7 =	sadd.s32 $0xF7A00, s7;
	[bflag:$0x0] =	sbarrier.arrive $0xFFFF;
	(pc) =	sbr.rel .LBB2_1-.Ltmp0, $4  }
0x18: {  	s6 =	simm.s32 $0x2;
	[sflag:s5] =	ssyncpa.u1 $0x1;
	s5 =	simm.s32 $0x1  }
0x19: {  	[sflag:s5] =	ssyncpa.u1 $0x0;
	p1 =	sne.s32 s8, s10;
	s8 =	simm.s32 $0x1  }
0x1a: {  	(ifvalue) =	ssetifvalue $0x200;
	[sflag:s6] =	ssyncpa.u1 $0x0;
	s8 =	simm.s32 @!p1 $0x0  }
0x1b: {  	vm0 =	vmmov $0xffff;
	s10 =	smov.u32 s3;
	s8 =	sadd.s32 s9, s8;
	s9 =	simm.s32 $0x0  }
.LBB2_5:
0x1c: {  	p2 =	sne.s32 s11, s8  }
.Ltmp1:
0x1d: {  	_ = 	snop;
	(pc) =	sbr.rel @!p2 .LBB2_6-.Ltmp1, $4  }
0x1e: {  	_ = 	snop  }
0x1f: {  	s12 =	sadd.s32 $0x7D0, s10  }
0x20: {  	s10 =	smov.u32 s3;
	s13 =	sadd.s32 $0x1, s11;
	p1 =	slt.s32 s12, s4  }
0x21: {  	s11 =	smov.u32 s13;
	s10 =	smov.u32 @p1 s12  }
.LBB2_1:
0x22: {  	p1 =	sge.u32 s11, s8  }
0x23: {  	s12 =	sxor.u32 @!p1 $0xFFFFFFFF, s11  }
0x24: {  	s12 =	sand.u32 @!p1 $0x1, s12  }
0x25: {  	s12 =	smul.u32 @!p1 $0x7D0, s12  }
0x26: {  	s13 =	sshrl.u32 @!p1 s10, $0x3  }
0x27: {  	s16 =	sand.u32 @!p1 $0x7, s10;
	s14 =	sadd.s32 @!p1 s2, s13;
	s15 =	sadd.s32 @!p1 $0x20, s12  }
0x28: {  	[tilespmem:s15], [sflag:$0x2] =	stream.linear.gather @!p1 [hbm4b:s14+s16], $0x7D0, $0x38;
	[tilespmem:$0x1F60] =	vst v63  }
0x29: {  	s13 =	sadd.s32 @!p1 s7, s13;
	s12 =	sadd.s32 @!p1 $0xFC0, s12  }
0x2a: {  	[tilespmem:s12], [sflag:$0x2] =	stream.linear.gather @!p1 [hbm4b:s13+s16], $0x7D0, $0x38;
	[tilespmem:$0x1F60] =	vst v63  }
0x2b: {  	p1 =	seq.s32 s11, $0x0  }
.Ltmp2:
0x2c: {  	_ = 	snop;
	(pc) =	sbr.rel @p1 .LBB2_5-.Ltmp2, $1  }
0x2d: {  	_ =	sdelay $0x3  }
0x2e: {  	s12 =	sand.u32 $0x1, s11  }
0x2f: {  	_ =	swait.ge [sflag:s6], $0xFA0;
	p1 =	seq.s32 s12, $0x1;
	s12 =	simm.s32 $0x7D0  }
0x30: {  	[sflag:s6] =	ssyncset.done $0x0;
	s12 =	simm.s32 @!p1 $0x0  }
0x31: {  	[sflag:s6] =	ssyncadd.s32 $0xFFFFF060;
	s14 =	sor.u32 $0x20, s12  }
0x32: {  	v0 =	vld.msk [tilespmem:s14+$0x0 ss:$0x1], $0xffff;
	_ =	sdelay $0x4  }
0x33: {  	v0 =	vmin.u32 v0, $0x200;
	_ =	sdelay $0x3  }
0x34: {  	s13 =	simm.s32 $0x0;
	s12 =	sadd.s32 $0xFC0, s12;
	s14 =	sadd.s32 $0x10, s14  }
0x35: {  	[spmem:s9] =	stream.indirect_vreg.scatter.add.s32 [tilespmem:s12], [sflag:$0x1], $0x1, v0, vm0, $0x4038;
	[tilespmem:$0x1F60] =	vst v63  }
.LBB2_3:
0x36: {  	v0 =	vld.msk [tilespmem:s14+$0x0 ss:$0x1], $0xffff;
	s13 =	sadd.s32 $0x10, s13  }
0x37: {  	p1 =	slt.u32 s13, $0x7C0;
	_ =	sdelay $0x4  }
0x38: {  	v0 =	vmin.u32 v0, $0x200  }
.Ltmp3:
0x39: {  	(pc) =	sbr.rel @p1 .LBB2_3-.Ltmp3, $3  }
0x3a: {  	_ =	sdelay $0x1  }
0x3b: {  	s14 =	sadd.s32 $0x10, s14;
	s12 =	sadd.s32 $0x10, s12  }
0x3c: {  	[spmem:s9] =	stream.indirect_vreg.scatter.add.s32 [tilespmem:s12], [sflag:$0x1], $0x1, v0, vm0, $0x4038;
	[tilespmem:$0x1F60] =	vst v63  }
.Ltmp4:
0x3d: {  	(pc) =	sbr.rel .LBB2_5-.Ltmp4, $4  }
0x3e: {  	_ = 	snop  }
0x3f: {  	_ =	swait.ge [sflag:s5], $0x7D0  }
0x40: {  	[sflag:s5] =	ssyncset.done $0x0  }
0x41: {  	[sflag:s5] =	ssyncadd.s32 $0xFFFFF830  }
.LBB2_6:
0x42: {  	_ =	sfence.sel $0x180000  }
0x43: {  	s2 =	simm.s32 $0x2;
	[bflag:$0x0] =	sbarrier.arrive $0xFFFF  }
0x44: {  	s30 =	simm.s32 $0x1;
	[sflag:s2] =	ssyncpa.u1 $0x1  }
0x45: {  	[sflag:s30] =	ssyncpa.u1 $0x1  }
0x46: {  	_ =	sfence.stream.spmem  }
0x47: {  	s31 =	simm.s32 $0x3D;
	[bflag:$0x0] =	sbarrier.arrive $0xFFFF  }
0x48: {  	s2 =	simm.s32 @p0 $0x3D;
	[sflag:s31] =	ssyncpa.u1 $0x0  }
0x49: {  	[sflag:s2] =	ssyncpa.u1 @p0 $0x1  }
0x4a: {  	[bflag:$0x0] =	sbarrier.arrive @p0 $0xFFFF  }
0x4b: {  	_ =	strace @p0 $0x90000047  }
0x4c: {  	s3 =	simm.s32 @!p0 $0x1C3D;
	s2 =	simm.s32 @!p0 $0x0;
	[bflag:$0x2] =	sbarrier.arrive @p0 $0xFFFF  }
0x4d: {  	[hbm:s1], [sflag:s3] =	dma.local @!p0 [spmem:s2], $0x40  }
0x4e: {  	s1 =	simm.s32 @!p0 $0x3D  }
0x4f: {  	_ =	swait.ge @!p0 [sflag:s1], $0x40  }
0x50: {  	[sflag:s1] =	ssyncset.done @!p0 $0x0  }
0x51: {  	[sflag:s1] =	ssyncadd.s32 @!p0 $0xFFFFFFC0  }
0x52: {  	[sflag:s1] =	ssyncpa.u1 @!p0 $0x1  }
0x53: {  	[bflag:$0x0] =	sbarrier.arrive @!p0 $0xFFFF  }
0x54: {  	_ =	strace @!p0 $0x90000047  }
0x55: {  	s0 =	sadd.s32 @!p0 $0x100000, s0;
	[bflag:$0x2] =	sbarrier.arrive @!p0 $0xFFFF  }
0x56: {  	[sflag:s0] =	ssyncadd.tile.s32 @!p0 $0x1;
	_ =	shalt  }
.Lfunc_end2:
_tile_overlayer_lowered:
.L_overlay_start_2:
0x57: {  	(tag) =	ssettag $0x2  }
0x58: {  	s0 =	rddreg [dreg:$0x0];
	s2 =	stileid.u32  }
0x59: {  	s1 =	rddreg [dreg:$0x1];
	p0 =	sne.s32 s2, $0x0  }
0x5a: {  	s3 =	rddreg [dreg:$0x2];
	[bflag:$0x3] =	sbarrier.arrive $0xFFFF;
	s2 =	simm.s32 @!p0 $0x1C01  }
0x5b: {  	[timem:s3], [sflag:s2] =	dma.local @!p0 [hbm:s0], s1  }
0x5c: {  	s0 =	simm.s32 @!p0 $0x1  }
0x5d: {  	_ =	swait.ge @!p0 [sflag:s0], s1  }
0x5e: {  	s1 =	ssub.s32 @!p0 $0x0, s1;
	[sflag:s0] =	ssyncset.done @!p0 $0x0  }
0x5f: {  	[sflag:s0] =	ssyncadd.s32 @!p0 s1  }
0x60: {  	[bflag:$0x3] =	sbarrier.arrive $0xFFFF  }
0x61: {  	_ =	shalt  }

</sc_bundles>
